<compile_context>
chip_gen: v7x
topology: tpu7x:2x2x1
jax: 0.10.2.dev20260603
libtpu: 0.0.44.dev20260713+nightly
codegen_flags: <defaults>
</compile_context>

<pallas_src>
import functools

import jax
import jax.numpy as jnp
from jax import lax
from jax.experimental import pallas as pl
from jax.experimental.pallas import tpu as pltpu
from jax.experimental.pallas import tpu_sc as plsc

N = 10000
E = 160000
D = 256
H = 128
NC = 2
NS = 16
NW = NC * NS
NP = 10240
EP = 163840
EPW1 = EP // NW
EPT = EP // NS
CH = 128
NCH = EPT // CH
NPASS = 2
CPP = NCH // NPASS
RPT = NP // NS

_mesh = plsc.VectorSubcoreMesh(
    core_axis_name="c", subcore_axis_name="s", num_cores=NC, num_subcores=NS)

f32 = jnp.float32
i32 = jnp.int32


@functools.partial(
    pl.kernel,
    out_type=(jax.ShapeDtypeStruct((NW * NP,), f32),
              jax.ShapeDtypeStruct((NW * NP,), f32)),
    mesh=_mesh,
    scratch_types=[
        pltpu.VMEM((EPW1,), i32),
        pltpu.VMEM((EPW1,), i32),
        pltpu.VMEM((NP,), f32),
        pltpu.VMEM((NP,), f32),
    ],
    compiler_params=pltpu.CompilerParams(needs_layout_passes=False),
)
def _k1_deg(src_hbm, dst_hbm, hs_hbm, hd_hbm, sv, dv, hs, hd):
    cid = lax.axis_index("c")
    sid = lax.axis_index("s")
    wid = sid * NC + cid
    zero16 = jnp.zeros((16,), f32)

    def zb(i, c):
        hs[pl.ds(i * 16, 16)] = zero16
        hd[pl.ds(i * 16, 16)] = zero16
        return c
    lax.fori_loop(0, NP // 16, zb, 0)

    pltpu.sync_copy(src_hbm.at[pl.ds(wid * EPW1, EPW1)], sv)
    pltpu.sync_copy(dst_hbm.at[pl.ds(wid * EPW1, EPW1)], dv)

    ones = jnp.ones((16,), f32)

    def eb(i, c):
        plsc.addupdate_scatter(hs, [sv[pl.ds(i * 16, 16)]], ones)
        plsc.addupdate_scatter(hd, [dv[pl.ds(i * 16, 16)]], ones)
        return c
    lax.fori_loop(0, EPW1 // 16, eb, 0)

    pltpu.sync_copy(hs, hs_hbm.at[pl.ds(wid * NP, NP)])
    pltpu.sync_copy(hd, hd_hbm.at[pl.ds(wid * NP, NP)])


def _k2_body(hs_ref, x_ref, o_ref):
    deg = jnp.sum(hs_ref[...], axis=0)
    norm = lax.rsqrt(jnp.maximum(deg, 1.0))
    o_ref[...] = x_ref[...] * norm[:N, None]


def _k2_norm(hs, x):
    return pl.pallas_call(
        _k2_body,
        grid=(2,),
        in_specs=[pl.BlockSpec((NW, NP), lambda c: (0, 0)),
                  pl.BlockSpec((N, H), lambda c: (0, c))],
        out_specs=pl.BlockSpec((N, H), lambda c: (c, 0)),
        out_shape=jax.ShapeDtypeStruct((2 * N, H), f32),
    )(hs, x)


@functools.partial(
    pl.kernel,
    out_type=jax.ShapeDtypeStruct((2 * NP, H), f32),
    mesh=_mesh,
    scratch_types=[
        pltpu.VMEM((CPP, CH), i32),
        pltpu.VMEM((CPP, CH), i32),
        pltpu.VMEM((CH, H), f32),
        pltpu.VMEM((CH, H), f32),
        pltpu.VMEM_SHARED((NP, H), f32),
        pltpu.SemaphoreType.DMA,
        pltpu.SemaphoreType.DMA,
    ],
)
def _k3_agg(nf_hbm, src3_hbm, dst3_hbm, z_hbm, raw_hbm,
            sidx, didx, rows_a, rows_b, acc, sem_a, sem_b):
    cid = lax.axis_index("c")
    sid = lax.axis_index("s")
    r0 = sid * RPT

    for k in range(RPT // CH):
        pltpu.sync_copy(z_hbm.at[pl.ds(r0 + k * CH, CH)],
                        acc.at[pl.ds(r0 + k * CH, CH)])
    plsc.subcore_barrier()

    w3 = cid * NS + sid
    for p in range(NPASS):
        pltpu.sync_copy(src3_hbm.at[w3, pl.ds(p * CPP, CPP)], sidx)
        pltpu.sync_copy(dst3_hbm.at[sid, pl.ds(p * CPP, CPP)], didx)

        pltpu.async_copy(nf_hbm.at[sidx.at[0]], rows_a, sem_a)
        pltpu.async_copy(nf_hbm.at[sidx.at[1]], rows_b, sem_b)

        def eb(i, c):
            g = i * 2
            pltpu.make_async_copy(nf_hbm.at[sidx.at[g]], rows_a, sem_a).wait()
            pltpu.sync_copy(rows_a, acc.at[didx.at[g]], add=True)

            @pl.when(g + 2 < CPP)
            def _():
                pltpu.async_copy(nf_hbm.at[sidx.at[g + 2]], rows_a, sem_a)

            pltpu.make_async_copy(nf_hbm.at[sidx.at[g + 1]], rows_b,
                                  sem_b).wait()
            pltpu.sync_copy(rows_b, acc.at[didx.at[g + 1]], add=True)

            @pl.when(g + 3 < CPP)
            def _():
                pltpu.async_copy(nf_hbm.at[sidx.at[g + 3]], rows_b, sem_b)
            return c
        lax.fori_loop(0, CPP // 2, eb, 0)

    plsc.subcore_barrier()
    out0 = cid * NP
    for k in range(RPT // CH):
        pltpu.sync_copy(acc.at[pl.ds(r0 + k * CH, CH)],
                        raw_hbm.at[pl.ds(out0 + r0 + k * CH, CH)])


def _k4_body(hd_ref, raw_ref, o_ref):
    deg = jnp.sum(hd_ref[...], axis=0)
    ni = lax.rsqrt(jnp.maximum(deg, 1.0))
    o_ref[...] = raw_ref[:N, :] * ni[:N, None]


def _k4_final(hd, raw):
    return pl.pallas_call(
        _k4_body,
        grid=(2,),
        in_specs=[pl.BlockSpec((NW, NP), lambda c: (0, 0)),
                  pl.BlockSpec((NP, H), lambda c: (c, 0))],
        out_specs=pl.BlockSpec((N, H), lambda c: (0, c)),
        out_shape=jax.ShapeDtypeStruct((N, D), f32),
    )(hd, raw)


def kernel(x, edge_index):
    src = edge_index[0]
    dst = edge_index[1]
    pad = jnp.full((EP - E,), N, dtype=i32)
    src_p = jnp.concatenate([src, pad])
    dst_p = jnp.concatenate([dst, pad])
    src_c = jnp.concatenate([src, jnp.zeros((EP - E,), i32)])
    src3 = jnp.concatenate([src_c, src_c + N]).reshape(NW, NCH, CH)
    dst3 = dst_p.reshape(NS, NCH, CH)
    zrows = jnp.zeros((NP, H), f32)

    hs, hd = _k1_deg(src_p, dst_p)
    hs = hs.reshape(NW, NP)
    hd = hd.reshape(NW, NP)
    nf = _k2_norm(hs, x)
    raw = _k3_agg(nf, src3, dst3, zrows)
    return _k4_final(hd, raw)

# --- scband reference (transcript-rebuilt; emitter-appended) ---
"""Pipeline reference for scband-gcnlayer-31310311587891 (READ-ONLY COPY).

The authoritative reference and input builder live on the scoring server;
editing this copy changes nothing except your own understanding.
"""

import jax, jax.numpy as jnp
import numpy as np

N_NODES = 10000
N_EDGES = 160000
D_FEAT = 256


def setup_inputs(seed: int = 0) -> dict:
    key = jax.random.key(seed)
    k1, k2 = jax.random.split(key)
    x = jax.random.normal(k1, (N_NODES, D_FEAT), dtype=jnp.float32)
    edge_index = jax.random.randint(k2, (2, N_EDGES), 0, N_NODES, dtype=jnp.int32)
    return {"x": x, "edge_index": edge_index}


def reference(x, edge_index):
    # DGL GCNLayer: symmetric-normalized copy_u/sum message passing.
    n = x.shape[0]
    src = edge_index[0]
    dst = edge_index[1]
    # out-degree normalization on source features (deg = #edges with src=u)
    deg_out = jnp.bincount(src, length=n).astype(jnp.float32)
    deg_out = jnp.maximum(deg_out, 1.0)
    norm_out = jnp.power(deg_out, -0.5)[:, None]
    node_f = x * norm_out
    # message = copy_u, reduce = sum over incoming edges (gather + scatter-add)
    msgs = jnp.take(node_f, src, axis=0)
    rst = jax.ops.segment_sum(msgs, dst, num_segments=n)
    # in-degree normalization on aggregated features
    deg_in = jnp.bincount(dst, length=n).astype(jnp.float32)
    deg_in = jnp.maximum(deg_in, 1.0)
    norm_in = jnp.power(deg_in, -0.5)[:, None]
    return rst * norm_in

if __name__ == "__main__":
    import jax
    _d = setup_inputs()
    print(jax.jit(kernel)(*tuple(_d.values())))

</pallas_src>

<mosaic_0001>
#map = affine_map<(d0, d1) -> (0)>
module attributes {stable_mosaic.version = 14 : i64} {
  func.func @_k1_deg(%arg0: i32, %arg1: i32, %arg2: memref<163840xi32, #tpu.memory_space<hbm>>, %arg3: memref<163840xi32, #tpu.memory_space<hbm>>, %arg4: memref<327680xf32, #tpu.memory_space<hbm>>, %arg5: memref<327680xf32, #tpu.memory_space<hbm>>, %arg6: memref<5120xi32, #tpu.memory_space<vmem>>, %arg7: memref<5120xi32, #tpu.memory_space<vmem>>, %arg8: memref<10240xf32, #tpu.memory_space<vmem>>, %arg9: memref<10240xf32, #tpu.memory_space<vmem>>) attributes {dimension_semantics = [#tpu.dimension_semantics<core_parallel>, #tpu.dimension_semantics<subcore_parallel>], iteration_bounds = array<i64: 2, 16>, scalar_prefetch = 0 : i64, scratch_operands = 4 : i64, tpu.core_type = #tpu.core_type<sc_vector_subcore>, window_params = [{transform_indices = #map}, {transform_indices = #map}, {transform_indices = #map}, {transform_indices = #map}]} {
    %mul3A = arith.constant 2 : i32
    %mul3A_0 = arith.muli %arg1, %mul3A : i32
    %add3A = arith.addi %mul3A_0, %arg0 : i32
    %broadcast_in_dim3A = arith.constant 0.000000e+00 : f32
    %broadcast_in_dim3A_1 = vector.broadcast %broadcast_in_dim3A : f32 to vector<16xf32>
    %scan3A = arith.constant 0 : i32
    %scan3A_2 = arith.constant 0 : i32
    %scan3A_3 = arith.constant 640 : i32
    %scan3A_4 = arith.addi %scan3A_2, %scan3A_3 : i32
    %scan3A_5 = arith.constant 1 : i32
    scf.for %scan3A_23 = %scan3A_2 to %scan3A_4 step %scan3A_5  : i32 {
      %mul3A_24 = arith.constant 16 : i32
      %mul3A_25 = arith.muli %scan3A_23, %mul3A_24 : i32
      %swap3A = arith.index_cast %mul3A_25 : i32 to index
      %swap3A_26 = tpu.vector_load %arg8[%swap3A] {strides = array<i32>} : memref<10240xf32, #tpu.memory_space<vmem>>, vector<16xf32>,
      tpu.vector_store %arg8[%swap3A], %broadcast_in_dim3A_1 {strides = array<i32>} : memref<10240xf32, #tpu.memory_space<vmem>>, vector<16xf32>,
      %mul3A_27 = arith.constant 16 : i32
      %mul3A_28 = arith.muli %scan3A_23, %mul3A_27 : i32
      %swap3A_29 = arith.index_cast %mul3A_28 : i32 to index
      %swap3A_30 = tpu.vector_load %arg9[%swap3A_29] {strides = array<i32>} : memref<10240xf32, #tpu.memory_space<vmem>>, vector<16xf32>,
      tpu.vector_store %arg9[%swap3A_29], %broadcast_in_dim3A_1 {strides = array<i32>} : memref<10240xf32, #tpu.memory_space<vmem>>, vector<16xf32>,
    }
    %scan3A_6 = arith.constant 640 : i32
    %mul3A_7 = arith.constant 5120 : i32
    %mul3A_8 = arith.muli %add3A, %mul3A_7 : i32
    "tpu.region"() ({
      %run_scoped3A = tpu.sem_alloc : memref<!tpu.dma_semaphore, #tpu.memory_space<semaphore_mem>>
      %dma_start3A = tpu.memref_slice %arg2[%mul3A_8] : memref<163840xi32, #tpu.memory_space<hbm>> -> memref<5120xi32, #tpu.memory_space<hbm>>
      %dma_start3A_23 = tpu.memref_slice %arg2[%mul3A_8] : memref<163840xi32, #tpu.memory_space<hbm>> -> memref<5120xi32, #tpu.memory_space<hbm>>
      tpu.enqueue_dma source(%dma_start3A_23 : memref<5120xi32, #tpu.memory_space<hbm>>) target(%arg6 : memref<5120xi32, #tpu.memory_space<vmem>>) target_semaphore(%run_scoped3A : memref<!tpu.dma_semaphore, #tpu.memory_space<semaphore_mem>>)
      %dma_wait3A = tpu.memref_slice %arg2[%mul3A_8] : memref<163840xi32, #tpu.memory_space<hbm>> -> memref<5120xi32, #tpu.memory_space<hbm>>
      %dma_wait3A_24 = tpu.memref_slice %arg2[%mul3A_8] : memref<163840xi32, #tpu.memory_space<hbm>> -> memref<5120xi32, #tpu.memory_space<hbm>>
      tpu.wait_dma2 semaphore(%run_scoped3A : memref<!tpu.dma_semaphore, #tpu.memory_space<semaphore_mem>>) src(%dma_wait3A_24 : memref<5120xi32, #tpu.memory_space<hbm>>) dst(%arg6 : memref<5120xi32, #tpu.memory_space<vmem>>)
      tpu.yield
    }) : () -> ()
    %mul3A_9 = arith.constant 5120 : i32
    %mul3A_10 = arith.muli %add3A, %mul3A_9 : i32
    "tpu.region"() ({
      %run_scoped3A = tpu.sem_alloc : memref<!tpu.dma_semaphore, #tpu.memory_space<semaphore_mem>>
      %dma_start3A = tpu.memref_slice %arg3[%mul3A_10] : memref<163840xi32, #tpu.memory_space<hbm>> -> memref<5120xi32, #tpu.memory_space<hbm>>
      %dma_start3A_23 = tpu.memref_slice %arg3[%mul3A_10] : memref<163840xi32, #tpu.memory_space<hbm>> -> memref<5120xi32, #tpu.memory_space<hbm>>
      tpu.enqueue_dma source(%dma_start3A_23 : memref<5120xi32, #tpu.memory_space<hbm>>) target(%arg7 : memref<5120xi32, #tpu.memory_space<vmem>>) target_semaphore(%run_scoped3A : memref<!tpu.dma_semaphore, #tpu.memory_space<semaphore_mem>>)
      %dma_wait3A = tpu.memref_slice %arg3[%mul3A_10] : memref<163840xi32, #tpu.memory_space<hbm>> -> memref<5120xi32, #tpu.memory_space<hbm>>
      %dma_wait3A_24 = tpu.memref_slice %arg3[%mul3A_10] : memref<163840xi32, #tpu.memory_space<hbm>> -> memref<5120xi32, #tpu.memory_space<hbm>>
      tpu.wait_dma2 semaphore(%run_scoped3A : memref<!tpu.dma_semaphore, #tpu.memory_space<semaphore_mem>>) src(%dma_wait3A_24 : memref<5120xi32, #tpu.memory_space<hbm>>) dst(%arg7 : memref<5120xi32, #tpu.memory_space<vmem>>)
      tpu.yield
    }) : () -> ()
    %broadcast_in_dim3A_11 = arith.constant 1.000000e+00 : f32
    %broadcast_in_dim3A_12 = vector.broadcast %broadcast_in_dim3A_11 : f32 to vector<16xf32>
    %scan3A_13 = arith.constant 0 : i32
    %scan3A_14 = arith.constant 0 : i32
    %scan3A_15 = arith.constant 320 : i32
    %scan3A_16 = arith.addi %scan3A_14, %scan3A_15 : i32
    %scan3A_17 = arith.constant 1 : i32
    scf.for %scan3A_23 = %scan3A_14 to %scan3A_16 step %scan3A_17  : i32 {
      %mul3A_24 = arith.constant 16 : i32
      %mul3A_25 = arith.muli %scan3A_23, %mul3A_24 : i32
      %get3A = arith.index_cast %mul3A_25 : i32 to index
      %get3A_26 = tpu.vector_load %arg6[%get3A] {strides = array<i32>} : memref<5120xi32, #tpu.memory_space<vmem>>, vector<16xi32>,
      tpu.vector_store_idx %arg8[%get3A_26], %broadcast_in_dim3A_12 {add = true} : memref<10240xf32, #tpu.memory_space<vmem>>[vector<16xi32>], vector<16xf32>,
      %mul3A_27 = arith.constant 16 : i32
      %mul3A_28 = arith.muli %scan3A_23, %mul3A_27 : i32
      %get3A_29 = arith.index_cast %mul3A_28 : i32 to index
      %get3A_30 = tpu.vector_load %arg7[%get3A_29] {strides = array<i32>} : memref<5120xi32, #tpu.memory_space<vmem>>, vector<16xi32>,
      tpu.vector_store_idx %arg9[%get3A_30], %broadcast_in_dim3A_12 {add = true} : memref<10240xf32, #tpu.memory_space<vmem>>[vector<16xi32>], vector<16xf32>,
    }
    %scan3A_18 = arith.constant 320 : i32
    %mul3A_19 = arith.constant 10240 : i32
    %mul3A_20 = arith.muli %add3A, %mul3A_19 : i32
    "tpu.region"() ({
      %run_scoped3A = tpu.sem_alloc : memref<!tpu.dma_semaphore, #tpu.memory_space<semaphore_mem>>
      %dma_start3A = tpu.memref_slice %arg4[%mul3A_20] : memref<327680xf32, #tpu.memory_space<hbm>> -> memref<10240xf32, #tpu.memory_space<hbm>>
      %dma_start3A_23 = tpu.memref_slice %arg4[%mul3A_20] : memref<327680xf32, #tpu.memory_space<hbm>> -> memref<10240xf32, #tpu.memory_space<hbm>>
      tpu.enqueue_dma source(%arg8 : memref<10240xf32, #tpu.memory_space<vmem>>) target(%dma_start3A_23 : memref<10240xf32, #tpu.memory_space<hbm>>) target_semaphore(%run_scoped3A : memref<!tpu.dma_semaphore, #tpu.memory_space<semaphore_mem>>)
      %dma_wait3A = tpu.memref_slice %arg4[%mul3A_20] : memref<327680xf32, #tpu.memory_space<hbm>> -> memref<10240xf32, #tpu.memory_space<hbm>>
      %dma_wait3A_24 = tpu.memref_slice %arg4[%mul3A_20] : memref<327680xf32, #tpu.memory_space<hbm>> -> memref<10240xf32, #tpu.memory_space<hbm>>
      tpu.wait_dma2 semaphore(%run_scoped3A : memref<!tpu.dma_semaphore, #tpu.memory_space<semaphore_mem>>) src(%arg8 : memref<10240xf32, #tpu.memory_space<vmem>>) dst(%dma_wait3A_24 : memref<10240xf32, #tpu.memory_space<hbm>>)
      tpu.yield
    }) : () -> ()
    %mul3A_21 = arith.constant 10240 : i32
    %mul3A_22 = arith.muli %add3A, %mul3A_21 : i32
    "tpu.region"() ({
      %run_scoped3A = tpu.sem_alloc : memref<!tpu.dma_semaphore, #tpu.memory_space<semaphore_mem>>
      %dma_start3A = tpu.memref_slice %arg5[%mul3A_22] : memref<327680xf32, #tpu.memory_space<hbm>> -> memref<10240xf32, #tpu.memory_space<hbm>>
      %dma_start3A_23 = tpu.memref_slice %arg5[%mul3A_22] : memref<327680xf32, #tpu.memory_space<hbm>> -> memref<10240xf32, #tpu.memory_space<hbm>>
      tpu.enqueue_dma source(%arg9 : memref<10240xf32, #tpu.memory_space<vmem>>) target(%dma_start3A_23 : memref<10240xf32, #tpu.memory_space<hbm>>) target_semaphore(%run_scoped3A : memref<!tpu.dma_semaphore, #tpu.memory_space<semaphore_mem>>)
      %dma_wait3A = tpu.memref_slice %arg5[%mul3A_22] : memref<327680xf32, #tpu.memory_space<hbm>> -> memref<10240xf32, #tpu.memory_space<hbm>>
      %dma_wait3A_24 = tpu.memref_slice %arg5[%mul3A_22] : memref<327680xf32, #tpu.memory_space<hbm>> -> memref<10240xf32, #tpu.memory_space<hbm>>
      tpu.wait_dma2 semaphore(%run_scoped3A : memref<!tpu.dma_semaphore, #tpu.memory_space<semaphore_mem>>) src(%arg9 : memref<10240xf32, #tpu.memory_space<vmem>>) dst(%dma_wait3A_24 : memref<10240xf32, #tpu.memory_space<hbm>>)
      tpu.yield
    }) : () -> ()
    return
  }
}

#map = affine_map<(d0, d1) -> (0, 0)>
#map1 = affine_map<(d0, d1) -> (0, 0, 0)>
module attributes {stable_mosaic.version = 14 : i64} {
  func.func @_k3_agg(%arg0: i32, %arg1: i32, %arg2: memref<20000x128xf32, #tpu.memory_space<hbm>>, %arg3: memref<32x80x128xi32, #tpu.memory_space<hbm>>, %arg4: memref<16x80x128xi32, #tpu.memory_space<hbm>>, %arg5: memref<10240x128xf32, #tpu.memory_space<hbm>>, %arg6: memref<20480x128xf32, #tpu.memory_space<hbm>>, %arg7: memref<40x128xi32, #tpu.memory_space<vmem>>, %arg8: memref<40x128xi32, #tpu.memory_space<vmem>>, %arg9: memref<128x128xf32, #tpu.memory_space<vmem>>, %arg10: memref<128x128xf32, #tpu.memory_space<vmem>>, %arg11: memref<10240x128xf32, #tpu.memory_space<vmem_shared>>, %arg12: memref<!tpu.dma_semaphore, #tpu.memory_space<semaphore_mem>>, %arg13: memref<!tpu.dma_semaphore, #tpu.memory_space<semaphore_mem>>) attributes {dimension_semantics = [#tpu.dimension_semantics<core_parallel>, #tpu.dimension_semantics<subcore_parallel>], iteration_bounds = array<i64: 2, 16>, scalar_prefetch = 0 : i64, scratch_operands = 7 : i64, tpu.core_type = #tpu.core_type<sc_vector_subcore>, window_params = [{transform_indices = #map}, {transform_indices = #map1}, {transform_indices = #map1}, {transform_indices = #map}, {transform_indices = #map}]} {
    %mul3A = arith.constant 640 : i32
    %mul3A_0 = arith.muli %arg1, %mul3A : i32
    %add3A = arith.constant 0 : i32
    %add3A_1 = arith.addi %mul3A_0, %add3A : i32
    %add3A_2 = arith.constant 0 : i32
    %add3A_3 = arith.addi %mul3A_0, %add3A_2 : i32
    "tpu.region"() ({
      %run_scoped3A = tpu.sem_alloc : memref<!tpu.dma_semaphore, #tpu.memory_space<semaphore_mem>>
      %dma_start3A_89 = arith.constant 0 : i32
      %dma_start3A_90 = tpu.memref_slice %arg11[%add3A_3, %dma_start3A_89] : memref<10240x128xf32, #tpu.memory_space<vmem_shared>> -> memref<128x128xf32, #tpu.memory_space<vmem_shared>>
      %dma_start3A_91 = arith.constant 0 : i32
      %dma_start3A_92 = tpu.memref_slice %arg5[%add3A_1, %dma_start3A_91] : memref<10240x128xf32, #tpu.memory_space<hbm>> -> memref<128x128xf32, #tpu.memory_space<hbm>>
      tpu.enqueue_dma source(%dma_start3A_92 : memref<128x128xf32, #tpu.memory_space<hbm>>) target(%dma_start3A_90 : memref<128x128xf32, #tpu.memory_space<vmem_shared>>) target_semaphore(%run_scoped3A : memref<!tpu.dma_semaphore, #tpu.memory_space<semaphore_mem>>)
      %dma_wait3A = arith.constant 0 : i32
      %dma_wait3A_93 = tpu.memref_slice %arg11[%add3A_3, %dma_wait3A] : memref<10240x128xf32, #tpu.memory_space<vmem_shared>> -> memref<128x128xf32, #tpu.memory_space<vmem_shared>>
      %dma_wait3A_94 = arith.constant 0 : i32
      %dma_wait3A_95 = tpu.memref_slice %arg5[%add3A_1, %dma_wait3A_94] : memref<10240x128xf32, #tpu.memory_space<hbm>> -> memref<128x128xf32, #tpu.memory_space<hbm>>
      tpu.wait_dma2 semaphore(%run_scoped3A : memref<!tpu.dma_semaphore, #tpu.memory_space<semaphore_mem>>) src(%dma_wait3A_95 : memref<128x128xf32, #tpu.memory_space<hbm>>) dst(%dma_wait3A_93 : memref<128x128xf32, #tpu.memory_space<vmem_shared>>)
      tpu.yield
    }) : () -> ()
    %add3A_4 = arith.constant 128 : i32
    %add3A_5 = arith.addi %mul3A_0, %add3A_4 : i32
    %add3A_6 = arith.constant 128 : i32
    %add3A_7 = arith.addi %mul3A_0, %add3A_6 : i32
    "tpu.region"() ({
      %run_scoped3A = tpu.sem_alloc : memref<!tpu.dma_semaphore, #tpu.memory_space<semaphore_mem>>
      %dma_start3A_89 = arith.constant 0 : i32
      %dma_start3A_90 = tpu.memref_slice %arg11[%add3A_7, %dma_start3A_89] : memref<10240x128xf32, #tpu.memory_space<vmem_shared>> -> memref<128x128xf32, #tpu.memory_space<vmem_shared>>
      %dma_start3A_91 = arith.constant 0 : i32
      %dma_start3A_92 = tpu.memref_slice %arg5[%add3A_5, %dma_start3A_91] : memref<10240x128xf32, #tpu.memory_space<hbm>> -> memref<128x128xf32, #tpu.memory_space<hbm>>
      tpu.enqueue_dma source(%dma_start3A_92 : memref<128x128xf32, #tpu.memory_space<hbm>>) target(%dma_start3A_90 : memref<128x128xf32, #tpu.memory_space<vmem_shared>>) target_semaphore(%run_scoped3A : memref<!tpu.dma_semaphore, #tpu.memory_space<semaphore_mem>>)
      %dma_wait3A = arith.constant 0 : i32
      %dma_wait3A_93 = tpu.memref_slice %arg11[%add3A_7, %dma_wait3A] : memref<10240x128xf32, #tpu.memory_space<vmem_shared>> -> memref<128x128xf32, #tpu.memory_space<vmem_shared>>
      %dma_wait3A_94 = arith.constant 0 : i32
      %dma_wait3A_95 = tpu.memref_slice %arg5[%add3A_5, %dma_wait3A_94] : memref<10240x128xf32, #tpu.memory_space<hbm>> -> memref<128x128xf32, #tpu.memory_space<hbm>>
      tpu.wait_dma2 semaphore(%run_scoped3A : memref<!tpu.dma_semaphore, #tpu.memory_space<semaphore_mem>>) src(%dma_wait3A_95 : memref<128x128xf32, #tpu.memory_space<hbm>>) dst(%dma_wait3A_93 : memref<128x128xf32, #tpu.memory_space<vmem_shared>>)
      tpu.yield
    }) : () -> ()
    %add3A_8 = arith.constant 256 : i32
    %add3A_9 = arith.addi %mul3A_0, %add3A_8 : i32
    %add3A_10 = arith.constant 256 : i32
    %add3A_11 = arith.addi %mul3A_0, %add3A_10 : i32
    "tpu.region"() ({
      %run_scoped3A = tpu.sem_alloc : memref<!tpu.dma_semaphore, #tpu.memory_space<semaphore_mem>>
      %dma_start3A_89 = arith.constant 0 : i32
      %dma_start3A_90 = tpu.memref_slice %arg11[%add3A_11, %dma_start3A_89] : memref<10240x128xf32, #tpu.memory_space<vmem_shared>> -> memref<128x128xf32, #tpu.memory_space<vmem_shared>>
      %dma_start3A_91 = arith.constant 0 : i32
      %dma_start3A_92 = tpu.memref_slice %arg5[%add3A_9, %dma_start3A_91] : memref<10240x128xf32, #tpu.memory_space<hbm>> -> memref<128x128xf32, #tpu.memory_space<hbm>>
      tpu.enqueue_dma source(%dma_start3A_92 : memref<128x128xf32, #tpu.memory_space<hbm>>) target(%dma_start3A_90 : memref<128x128xf32, #tpu.memory_space<vmem_shared>>) target_semaphore(%run_scoped3A : memref<!tpu.dma_semaphore, #tpu.memory_space<semaphore_mem>>)
      %dma_wait3A = arith.constant 0 : i32
      %dma_wait3A_93 = tpu.memref_slice %arg11[%add3A_11, %dma_wait3A] : memref<10240x128xf32, #tpu.memory_space<vmem_shared>> -> memref<128x128xf32, #tpu.memory_space<vmem_shared>>
      %dma_wait3A_94 = arith.constant 0 : i32
      %dma_wait3A_95 = tpu.memref_slice %arg5[%add3A_9, %dma_wait3A_94] : memref<10240x128xf32, #tpu.memory_space<hbm>> -> memref<128x128xf32, #tpu.memory_space<hbm>>
      tpu.wait_dma2 semaphore(%run_scoped3A : memref<!tpu.dma_semaphore, #tpu.memory_space<semaphore_mem>>) src(%dma_wait3A_95 : memref<128x128xf32, #tpu.memory_space<hbm>>) dst(%dma_wait3A_93 : memref<128x128xf32, #tpu.memory_space<vmem_shared>>)
      tpu.yield
    }) : () -> ()
    %add3A_12 = arith.constant 384 : i32
    %add3A_13 = arith.addi %mul3A_0, %add3A_12 : i32
    %add3A_14 = arith.constant 384 : i32
    %add3A_15 = arith.addi %mul3A_0, %add3A_14 : i32
    "tpu.region"() ({
      %run_scoped3A = tpu.sem_alloc : memref<!tpu.dma_semaphore, #tpu.memory_space<semaphore_mem>>
      %dma_start3A_89 = arith.constant 0 : i32
      %dma_start3A_90 = tpu.memref_slice %arg11[%add3A_15, %dma_start3A_89] : memref<10240x128xf32, #tpu.memory_space<vmem_shared>> -> memref<128x128xf32, #tpu.memory_space<vmem_shared>>
      %dma_start3A_91 = arith.constant 0 : i32
      %dma_start3A_92 = tpu.memref_slice %arg5[%add3A_13, %dma_start3A_91] : memref<10240x128xf32, #tpu.memory_space<hbm>> -> memref<128x128xf32, #tpu.memory_space<hbm>>
      tpu.enqueue_dma source(%dma_start3A_92 : memref<128x128xf32, #tpu.memory_space<hbm>>) target(%dma_start3A_90 : memref<128x128xf32, #tpu.memory_space<vmem_shared>>) target_semaphore(%run_scoped3A : memref<!tpu.dma_semaphore, #tpu.memory_space<semaphore_mem>>)
      %dma_wait3A = arith.constant 0 : i32
      %dma_wait3A_93 = tpu.memref_slice %arg11[%add3A_15, %dma_wait3A] : memref<10240x128xf32, #tpu.memory_space<vmem_shared>> -> memref<128x128xf32, #tpu.memory_space<vmem_shared>>
      %dma_wait3A_94 = arith.constant 0 : i32
      %dma_wait3A_95 = tpu.memref_slice %arg5[%add3A_13, %dma_wait3A_94] : memref<10240x128xf32, #tpu.memory_space<hbm>> -> memref<128x128xf32, #tpu.memory_space<hbm>>
      tpu.wait_dma2 semaphore(%run_scoped3A : memref<!tpu.dma_semaphore, #tpu.memory_space<semaphore_mem>>) src(%dma_wait3A_95 : memref<128x128xf32, #tpu.memory_space<hbm>>) dst(%dma_wait3A_93 : memref<128x128xf32, #tpu.memory_space<vmem_shared>>)
      tpu.yield
    }) : () -> ()
    %add3A_16 = arith.constant 512 : i32
    %add3A_17 = arith.addi %mul3A_0, %add3A_16 : i32
    %add3A_18 = arith.constant 512 : i32
    %add3A_19 = arith.addi %mul3A_0, %add3A_18 : i32
    "tpu.region"() ({
      %run_scoped3A = tpu.sem_alloc : memref<!tpu.dma_semaphore, #tpu.memory_space<semaphore_mem>>
      %dma_start3A_89 = arith.constant 0 : i32
      %dma_start3A_90 = tpu.memref_slice %arg11[%add3A_19, %dma_start3A_89] : memref<10240x128xf32, #tpu.memory_space<vmem_shared>> -> memref<128x128xf32, #tpu.memory_space<vmem_shared>>
      %dma_start3A_91 = arith.constant 0 : i32
      %dma_start3A_92 = tpu.memref_slice %arg5[%add3A_17, %dma_start3A_91] : memref<10240x128xf32, #tpu.memory_space<hbm>> -> memref<128x128xf32, #tpu.memory_space<hbm>>
      tpu.enqueue_dma source(%dma_start3A_92 : memref<128x128xf32, #tpu.memory_space<hbm>>) target(%dma_start3A_90 : memref<128x128xf32, #tpu.memory_space<vmem_shared>>) target_semaphore(%run_scoped3A : memref<!tpu.dma_semaphore, #tpu.memory_space<semaphore_mem>>)
      %dma_wait3A = arith.constant 0 : i32
      %dma_wait3A_93 = tpu.memref_slice %arg11[%add3A_19, %dma_wait3A] : memref<10240x128xf32, #tpu.memory_space<vmem_shared>> -> memref<128x128xf32, #tpu.memory_space<vmem_shared>>
      %dma_wait3A_94 = arith.constant 0 : i32
      %dma_wait3A_95 = tpu.memref_slice %arg5[%add3A_17, %dma_wait3A_94] : memref<10240x128xf32, #tpu.memory_space<hbm>> -> memref<128x128xf32, #tpu.memory_space<hbm>>
      tpu.wait_dma2 semaphore(%run_scoped3A : memref<!tpu.dma_semaphore, #tpu.memory_space<semaphore_mem>>) src(%dma_wait3A_95 : memref<128x128xf32, #tpu.memory_space<hbm>>) dst(%dma_wait3A_93 : memref<128x128xf32, #tpu.memory_space<vmem_shared>>)
      tpu.yield
    }) : () -> ()
    %barrier3A = arith.constant 0 : index
    tpu.barrier barrier_id(%barrier3A)
    %mul3A_20 = arith.constant 16 : i32
    %mul3A_21 = arith.muli %arg0, %mul3A_20 : i32
    %add3A_22 = arith.addi %mul3A_21, %arg1 : i32
    "tpu.region"() ({
      %run_scoped3A = tpu.sem_alloc : memref<!tpu.dma_semaphore, #tpu.memory_space<semaphore_mem>>
      %dma_start3A_89 = arith.constant 0 : i32
      %dma_start3A_90 = arith.constant 0 : i32
      %dma_start3A_91 = tpu.memref_slice %arg3[%add3A_22, %dma_start3A_89, %dma_start3A_90] : memref<32x80x128xi32, #tpu.memory_space<hbm>> -> memref<1x40x128xi32, #tpu.memory_space<hbm>>
      %dma_start3A_92 = tpu.memref_squeeze %dma_start3A_91 : memref<1x40x128xi32, #tpu.memory_space<hbm>> -> memref<40x128xi32, #tpu.memory_space<hbm>>
      %dma_start3A_93 = arith.constant 0 : i32
      %dma_start3A_94 = arith.constant 0 : i32
      %dma_start3A_95 = tpu.memref_slice %arg3[%add3A_22, %dma_start3A_93, %dma_start3A_94] : memref<32x80x128xi32, #tpu.memory_space<hbm>> -> memref<1x40x128xi32, #tpu.memory_space<hbm>>
      %dma_start3A_96 = tpu.memref_squeeze %dma_start3A_95 : memref<1x40x128xi32, #tpu.memory_space<hbm>> -> memref<40x128xi32, #tpu.memory_space<hbm>>
      tpu.enqueue_dma source(%dma_start3A_96 : memref<40x128xi32, #tpu.memory_space<hbm>>) target(%arg7 : memref<40x128xi32, #tpu.memory_space<vmem>>) target_semaphore(%run_scoped3A : memref<!tpu.dma_semaphore, #tpu.memory_space<semaphore_mem>>)
      %dma_wait3A = arith.constant 0 : i32
      %dma_wait3A_97 = arith.constant 0 : i32
      %dma_wait3A_98 = tpu.memref_slice %arg3[%add3A_22, %dma_wait3A, %dma_wait3A_97] : memref<32x80x128xi32, #tpu.memory_space<hbm>> -> memref<1x40x128xi32, #tpu.memory_space<hbm>>
      %dma_wait3A_99 = tpu.memref_squeeze %dma_wait3A_98 : memref<1x40x128xi32, #tpu.memory_space<hbm>> -> memref<40x128xi32, #tpu.memory_space<hbm>>
      %dma_wait3A_100 = arith.constant 0 : i32
      %dma_wait3A_101 = arith.constant 0 : i32
      %dma_wait3A_102 = tpu.memref_slice %arg3[%add3A_22, %dma_wait3A_100, %dma_wait3A_101] : memref<32x80x128xi32, #tpu.memory_space<hbm>> -> memref<1x40x128xi32, #tpu.memory_space<hbm>>
      %dma_wait3A_103 = tpu.memref_squeeze %dma_wait3A_102 : memref<1x40x128xi32, #tpu.memory_space<hbm>> -> memref<40x128xi32, #tpu.memory_space<hbm>>
      tpu.wait_dma2 semaphore(%run_scoped3A : memref<!tpu.dma_semaphore, #tpu.memory_space<semaphore_mem>>) src(%dma_wait3A_103 : memref<40x128xi32, #tpu.memory_space<hbm>>) dst(%arg7 : memref<40x128xi32, #tpu.memory_space<vmem>>)
      tpu.yield
    }) : () -> ()
    "tpu.region"() ({
      %run_scoped3A = tpu.sem_alloc : memref<!tpu.dma_semaphore, #tpu.memory_space<semaphore_mem>>
      %dma_start3A_89 = arith.constant 0 : i32
      %dma_start3A_90 = arith.constant 0 : i32
      %dma_start3A_91 = tpu.memref_slice %arg4[%arg1, %dma_start3A_89, %dma_start3A_90] : memref<16x80x128xi32, #tpu.memory_space<hbm>> -> memref<1x40x128xi32, #tpu.memory_space<hbm>>
      %dma_start3A_92 = tpu.memref_squeeze %dma_start3A_91 : memref<1x40x128xi32, #tpu.memory_space<hbm>> -> memref<40x128xi32, #tpu.memory_space<hbm>>
      %dma_start3A_93 = arith.constant 0 : i32
      %dma_start3A_94 = arith.constant 0 : i32
      %dma_start3A_95 = tpu.memref_slice %arg4[%arg1, %dma_start3A_93, %dma_start3A_94] : memref<16x80x128xi32, #tpu.memory_space<hbm>> -> memref<1x40x128xi32, #tpu.memory_space<hbm>>
      %dma_start3A_96 = tpu.memref_squeeze %dma_start3A_95 : memref<1x40x128xi32, #tpu.memory_space<hbm>> -> memref<40x128xi32, #tpu.memory_space<hbm>>
      tpu.enqueue_dma source(%dma_start3A_96 : memref<40x128xi32, #tpu.memory_space<hbm>>) target(%arg8 : memref<40x128xi32, #tpu.memory_space<vmem>>) target_semaphore(%run_scoped3A : memref<!tpu.dma_semaphore, #tpu.memory_space<semaphore_mem>>)
      %dma_wait3A = arith.constant 0 : i32
      %dma_wait3A_97 = arith.constant 0 : i32
      %dma_wait3A_98 = tpu.memref_slice %arg4[%arg1, %dma_wait3A, %dma_wait3A_97] : memref<16x80x128xi32, #tpu.memory_space<hbm>> -> memref<1x40x128xi32, #tpu.memory_space<hbm>>
      %dma_wait3A_99 = tpu.memref_squeeze %dma_wait3A_98 : memref<1x40x128xi32, #tpu.memory_space<hbm>> -> memref<40x128xi32, #tpu.memory_space<hbm>>
      %dma_wait3A_100 = arith.constant 0 : i32
      %dma_wait3A_101 = arith.constant 0 : i32
      %dma_wait3A_102 = tpu.memref_slice %arg4[%arg1, %dma_wait3A_100, %dma_wait3A_101] : memref<16x80x128xi32, #tpu.memory_space<hbm>> -> memref<1x40x128xi32, #tpu.memory_space<hbm>>
      %dma_wait3A_103 = tpu.memref_squeeze %dma_wait3A_102 : memref<1x40x128xi32, #tpu.memory_space<hbm>> -> memref<40x128xi32, #tpu.memory_space<hbm>>
      tpu.wait_dma2 semaphore(%run_scoped3A : memref<!tpu.dma_semaphore, #tpu.memory_space<semaphore_mem>>) src(%dma_wait3A_103 : memref<40x128xi32, #tpu.memory_space<hbm>>) dst(%arg8 : memref<40x128xi32, #tpu.memory_space<vmem>>)
      tpu.yield
    }) : () -> ()
    %dma_start3A = arith.constant 0 : i32
    %dma_start3A_23 = arith.constant 0 : i32
    %dma_start3A_24 = tpu.memref_slice %arg7[%dma_start3A, %dma_start3A_23] : memref<40x128xi32, #tpu.memory_space<vmem>> -> memref<1x128xi32, #tpu.memory_space<vmem>>
    %dma_start3A_25 = tpu.memref_squeeze %dma_start3A_24 : memref<1x128xi32, #tpu.memory_space<vmem>> -> memref<128xi32, #tpu.memory_space<vmem>>
    %dma_start3A_26 = arith.constant 0 : i32
    %dma_start3A_27 = arith.constant 0 : i32
    %dma_start3A_28 = tpu.memref_slice %arg2[%dma_start3A_26, %dma_start3A_27] : memref<20000x128xf32, #tpu.memory_space<hbm>> -> memref<20000x128xf32, #tpu.memory_space<hbm>>
    tpu.enqueue_indirect_dma source(%dma_start3A_28 : memref<20000x128xf32, #tpu.memory_space<hbm>>) target(%arg9 : memref<128x128xf32, #tpu.memory_space<vmem>>) offsets(%dma_start3A_25 : memref<128xi32, #tpu.memory_space<vmem>>) semaphore(%arg12 : memref<!tpu.dma_semaphore, #tpu.memory_space<semaphore_mem>>)
    %dma_start3A_29 = arith.constant 1 : i32
    %dma_start3A_30 = arith.constant 0 : i32
    %dma_start3A_31 = tpu.memref_slice %arg7[%dma_start3A_29, %dma_start3A_30] : memref<40x128xi32, #tpu.memory_space<vmem>> -> memref<1x128xi32, #tpu.memory_space<vmem>>
    %dma_start3A_32 = tpu.memref_squeeze %dma_start3A_31 : memref<1x128xi32, #tpu.memory_space<vmem>> -> memref<128xi32, #tpu.memory_space<vmem>>
    %dma_start3A_33 = arith.constant 0 : i32
    %dma_start3A_34 = arith.constant 0 : i32
    %dma_start3A_35 = tpu.memref_slice %arg2[%dma_start3A_33, %dma_start3A_34] : memref<20000x128xf32, #tpu.memory_space<hbm>> -> memref<20000x128xf32, #tpu.memory_space<hbm>>
    tpu.enqueue_indirect_dma source(%dma_start3A_35 : memref<20000x128xf32, #tpu.memory_space<hbm>>) target(%arg10 : memref<128x128xf32, #tpu.memory_space<vmem>>) offsets(%dma_start3A_32 : memref<128xi32, #tpu.memory_space<vmem>>) semaphore(%arg13 : memref<!tpu.dma_semaphore, #tpu.memory_space<semaphore_mem>>)
    %scan3A = arith.constant 0 : i32
    %scan3A_36 = arith.constant 0 : i32
    %scan3A_37 = arith.constant 20 : i32
    %scan3A_38 = arith.addi %scan3A_36, %scan3A_37 : i32
    %scan3A_39 = arith.constant 1 : i32
    scf.for %scan3A_89 = %scan3A_36 to %scan3A_38 step %scan3A_39  : i32 {
      %mul3A_90 = arith.constant 2 : i32
      %mul3A_91 = arith.muli %scan3A_89, %mul3A_90 : i32
      %dma_wait3A = arith.constant 0 : i32
      %dma_wait3A_92 = tpu.memref_slice %arg7[%mul3A_91, %dma_wait3A] : memref<40x128xi32, #tpu.memory_space<vmem>> -> memref<1x128xi32, #tpu.memory_space<vmem>>
      %dma_wait3A_93 = tpu.memref_squeeze %dma_wait3A_92 : memref<1x128xi32, #tpu.memory_space<vmem>> -> memref<128xi32, #tpu.memory_space<vmem>>
      %dma_wait3A_94 = arith.constant 0 : i32
      %dma_wait3A_95 = arith.constant 0 : i32
      %dma_wait3A_96 = tpu.memref_slice %arg2[%dma_wait3A_94, %dma_wait3A_95] : memref<20000x128xf32, #tpu.memory_space<hbm>> -> memref<20000x128xf32, #tpu.memory_space<hbm>>
      tpu.wait_indirect_dma semaphore(%arg12 : memref<!tpu.dma_semaphore, #tpu.memory_space<semaphore_mem>>) src(%dma_wait3A_96 : memref<20000x128xf32, #tpu.memory_space<hbm>>) dst(%arg9 : memref<128x128xf32, #tpu.memory_space<vmem>>)
      "tpu.region"() ({
        %run_scoped3A = tpu.sem_alloc : memref<!tpu.dma_semaphore, #tpu.memory_space<semaphore_mem>>
        %dma_start3A_118 = arith.constant 0 : i32
        %dma_start3A_119 = tpu.memref_slice %arg8[%mul3A_91, %dma_start3A_118] : memref<40x128xi32, #tpu.memory_space<vmem>> -> memref<1x128xi32, #tpu.memory_space<vmem>>
        %dma_start3A_120 = tpu.memref_squeeze %dma_start3A_119 : memref<1x128xi32, #tpu.memory_space<vmem>> -> memref<128xi32, #tpu.memory_space<vmem>>
        %dma_start3A_121 = arith.constant 0 : i32
        %dma_start3A_122 = arith.constant 0 : i32
        %dma_start3A_123 = tpu.memref_slice %arg11[%dma_start3A_121, %dma_start3A_122] : memref<10240x128xf32, #tpu.memory_space<vmem_shared>> -> memref<10240x128xf32, #tpu.memory_space<vmem_shared>>
        tpu.enqueue_indirect_dma source(%arg9 : memref<128x128xf32, #tpu.memory_space<vmem>>) target(%dma_start3A_123 : memref<10240x128xf32, #tpu.memory_space<vmem_shared>>) offsets(%dma_start3A_120 : memref<128xi32, #tpu.memory_space<vmem>>) semaphore(%run_scoped3A : memref<!tpu.dma_semaphore, #tpu.memory_space<semaphore_mem>>) {add = true}
        %dma_wait3A_124 = arith.constant 0 : i32
        %dma_wait3A_125 = tpu.memref_slice %arg8[%mul3A_91, %dma_wait3A_124] : memref<40x128xi32, #tpu.memory_space<vmem>> -> memref<1x128xi32, #tpu.memory_space<vmem>>
        %dma_wait3A_126 = tpu.memref_squeeze %dma_wait3A_125 : memref<1x128xi32, #tpu.memory_space<vmem>> -> memref<128xi32, #tpu.memory_space<vmem>>
        %dma_wait3A_127 = arith.constant 0 : i32
        %dma_wait3A_128 = arith.constant 0 : i32
        %dma_wait3A_129 = tpu.memref_slice %arg11[%dma_wait3A_127, %dma_wait3A_128] : memref<10240x128xf32, #tpu.memory_space<vmem_shared>> -> memref<10240x128xf32, #tpu.memory_space<vmem_shared>>
        tpu.wait_indirect_dma semaphore(%run_scoped3A : memref<!tpu.dma_semaphore, #tpu.memory_space<semaphore_mem>>) src(%arg9 : memref<128x128xf32, #tpu.memory_space<vmem>>) dst(%dma_wait3A_129 : memref<10240x128xf32, #tpu.memory_space<vmem_shared>>)
        tpu.yield
      }) : () -> ()
      %add3A_97 = arith.constant 2 : i32
      %add3A_98 = arith.addi %mul3A_91, %add3A_97 : i32
      %lt3A = arith.constant 40 : i32
      %lt3A_99 = arith.cmpi slt, %add3A_98, %lt3A : i32
      %convert_element_type3A = arith.extui %lt3A_99 : i1 to i32
      %cond3A = arith.constant 0 : i32
      %cond3A_100 = arith.cmpi ne, %convert_element_type3A, %cond3A : i32
      scf.if %cond3A_100 {
        %add3A_118 = arith.constant 2 : i32
        %add3A_119 = arith.addi %mul3A_91, %add3A_118 : i32
        %dma_start3A_120 = arith.constant 0 : i32
        %dma_start3A_121 = tpu.memref_slice %arg7[%add3A_119, %dma_start3A_120] : memref<40x128xi32, #tpu.memory_space<vmem>> -> memref<1x128xi32, #tpu.memory_space<vmem>>
        %dma_start3A_122 = tpu.memref_squeeze %dma_start3A_121 : memref<1x128xi32, #tpu.memory_space<vmem>> -> memref<128xi32, #tpu.memory_space<vmem>>
        %dma_start3A_123 = arith.constant 0 : i32
        %dma_start3A_124 = arith.constant 0 : i32
        %dma_start3A_125 = tpu.memref_slice %arg2[%dma_start3A_123, %dma_start3A_124] : memref<20000x128xf32, #tpu.memory_space<hbm>> -> memref<20000x128xf32, #tpu.memory_space<hbm>>
        tpu.enqueue_indirect_dma source(%dma_start3A_125 : memref<20000x128xf32, #tpu.memory_space<hbm>>) target(%arg9 : memref<128x128xf32, #tpu.memory_space<vmem>>) offsets(%dma_start3A_122 : memref<128xi32, #tpu.memory_space<vmem>>) semaphore(%arg12 : memref<!tpu.dma_semaphore, #tpu.memory_space<semaphore_mem>>)
      } else {
      }
      %add3A_101 = arith.constant 1 : i32
      %add3A_102 = arith.addi %mul3A_91, %add3A_101 : i32
      %dma_wait3A_103 = arith.constant 0 : i32
      %dma_wait3A_104 = tpu.memref_slice %arg7[%add3A_102, %dma_wait3A_103] : memref<40x128xi32, #tpu.memory_space<vmem>> -> memref<1x128xi32, #tpu.memory_space<vmem>>
      %dma_wait3A_105 = tpu.memref_squeeze %dma_wait3A_104 : memref<1x128xi32, #tpu.memory_space<vmem>> -> memref<128xi32, #tpu.memory_space<vmem>>
      %dma_wait3A_106 = arith.constant 0 : i32
      %dma_wait3A_107 = arith.constant 0 : i32
      %dma_wait3A_108 = tpu.memref_slice %arg2[%dma_wait3A_106, %dma_wait3A_107] : memref<20000x128xf32, #tpu.memory_space<hbm>> -> memref<20000x128xf32, #tpu.memory_space<hbm>>
      tpu.wait_indirect_dma semaphore(%arg13 : memref<!tpu.dma_semaphore, #tpu.memory_space<semaphore_mem>>) src(%dma_wait3A_108 : memref<20000x128xf32, #tpu.memory_space<hbm>>) dst(%arg10 : memref<128x128xf32, #tpu.memory_space<vmem>>)
      %add3A_109 = arith.constant 1 : i32
      %add3A_110 = arith.addi %mul3A_91, %add3A_109 : i32
      "tpu.region"() ({
        %run_scoped3A = tpu.sem_alloc : memref<!tpu.dma_semaphore, #tpu.memory_space<semaphore_mem>>
        %dma_start3A_118 = arith.constant 0 : i32
        %dma_start3A_119 = tpu.memref_slice %arg8[%add3A_110, %dma_start3A_118] : memref<40x128xi32, #tpu.memory_space<vmem>> -> memref<1x128xi32, #tpu.memory_space<vmem>>
        %dma_start3A_120 = tpu.memref_squeeze %dma_start3A_119 : memref<1x128xi32, #tpu.memory_space<vmem>> -> memref<128xi32, #tpu.memory_space<vmem>>
        %dma_start3A_121 = arith.constant 0 : i32
        %dma_start3A_122 = arith.constant 0 : i32
        %dma_start3A_123 = tpu.memref_slice %arg11[%dma_start3A_121, %dma_start3A_122] : memref<10240x128xf32, #tpu.memory_space<vmem_shared>> -> memref<10240x128xf32, #tpu.memory_space<vmem_shared>>
        tpu.enqueue_indirect_dma source(%arg10 : memref<128x128xf32, #tpu.memory_space<vmem>>) target(%dma_start3A_123 : memref<10240x128xf32, #tpu.memory_space<vmem_shared>>) offsets(%dma_start3A_120 : memref<128xi32, #tpu.memory_space<vmem>>) semaphore(%run_scoped3A : memref<!tpu.dma_semaphore, #tpu.memory_space<semaphore_mem>>) {add = true}
        %dma_wait3A_124 = arith.constant 0 : i32
        %dma_wait3A_125 = tpu.memref_slice %arg8[%add3A_110, %dma_wait3A_124] : memref<40x128xi32, #tpu.memory_space<vmem>> -> memref<1x128xi32, #tpu.memory_space<vmem>>
        %dma_wait3A_126 = tpu.memref_squeeze %dma_wait3A_125 : memref<1x128xi32, #tpu.memory_space<vmem>> -> memref<128xi32, #tpu.memory_space<vmem>>
        %dma_wait3A_127 = arith.constant 0 : i32
        %dma_wait3A_128 = arith.constant 0 : i32
        %dma_wait3A_129 = tpu.memref_slice %arg11[%dma_wait3A_127, %dma_wait3A_128] : memref<10240x128xf32, #tpu.memory_space<vmem_shared>> -> memref<10240x128xf32, #tpu.memory_space<vmem_shared>>
        tpu.wait_indirect_dma semaphore(%run_scoped3A : memref<!tpu.dma_semaphore, #tpu.memory_space<semaphore_mem>>) src(%arg10 : memref<128x128xf32, #tpu.memory_space<vmem>>) dst(%dma_wait3A_129 : memref<10240x128xf32, #tpu.memory_space<vmem_shared>>)
        tpu.yield
      }) : () -> ()
      %add3A_111 = arith.constant 3 : i32
      %add3A_112 = arith.addi %mul3A_91, %add3A_111 : i32
      %lt3A_113 = arith.constant 40 : i32
      %lt3A_114 = arith.cmpi slt, %add3A_112, %lt3A_113 : i32
      %convert_element_type3A_115 = arith.extui %lt3A_114 : i1 to i32
      %cond3A_116 = arith.constant 0 : i32
      %cond3A_117 = arith.cmpi ne, %convert_element_type3A_115, %cond3A_116 : i32
      scf.if %cond3A_117 {
        %add3A_118 = arith.constant 3 : i32
        %add3A_119 = arith.addi %mul3A_91, %add3A_118 : i32
        %dma_start3A_120 = arith.constant 0 : i32
        %dma_start3A_121 = tpu.memref_slice %arg7[%add3A_119, %dma_start3A_120] : memref<40x128xi32, #tpu.memory_space<vmem>> -> memref<1x128xi32, #tpu.memory_space<vmem>>
        %dma_start3A_122 = tpu.memref_squeeze %dma_start3A_121 : memref<1x128xi32, #tpu.memory_space<vmem>> -> memref<128xi32, #tpu.memory_space<vmem>>
        %dma_start3A_123 = arith.constant 0 : i32
        %dma_start3A_124 = arith.constant 0 : i32
        %dma_start3A_125 = tpu.memref_slice %arg2[%dma_start3A_123, %dma_start3A_124] : memref<20000x128xf32, #tpu.memory_space<hbm>> -> memref<20000x128xf32, #tpu.memory_space<hbm>>
        tpu.enqueue_indirect_dma source(%dma_start3A_125 : memref<20000x128xf32, #tpu.memory_space<hbm>>) target(%arg10 : memref<128x128xf32, #tpu.memory_space<vmem>>) offsets(%dma_start3A_122 : memref<128xi32, #tpu.memory_space<vmem>>) semaphore(%arg13 : memref<!tpu.dma_semaphore, #tpu.memory_space<semaphore_mem>>)
      } else {
      }
    }
    %scan3A_40 = arith.constant 20 : i32
    "tpu.region"() ({
      %run_scoped3A = tpu.sem_alloc : memref<!tpu.dma_semaphore, #tpu.memory_space<semaphore_mem>>
      %dma_start3A_89 = arith.constant 40 : i32
      %dma_start3A_90 = arith.constant 0 : i32
      %dma_start3A_91 = tpu.memref_slice %arg3[%add3A_22, %dma_start3A_89, %dma_start3A_90] : memref<32x80x128xi32, #tpu.memory_space<hbm>> -> memref<1x40x128xi32, #tpu.memory_space<hbm>>
      %dma_start3A_92 = tpu.memref_squeeze %dma_start3A_91 : memref<1x40x128xi32, #tpu.memory_space<hbm>> -> memref<40x128xi32, #tpu.memory_space<hbm>>
      %dma_start3A_93 = arith.constant 40 : i32
      %dma_start3A_94 = arith.constant 0 : i32
      %dma_start3A_95 = tpu.memref_slice %arg3[%add3A_22, %dma_start3A_93, %dma_start3A_94] : memref<32x80x128xi32, #tpu.memory_space<hbm>> -> memref<1x40x128xi32, #tpu.memory_space<hbm>>
      %dma_start3A_96 = tpu.memref_squeeze %dma_start3A_95 : memref<1x40x128xi32, #tpu.memory_space<hbm>> -> memref<40x128xi32, #tpu.memory_space<hbm>>
      tpu.enqueue_dma source(%dma_start3A_96 : memref<40x128xi32, #tpu.memory_space<hbm>>) target(%arg7 : memref<40x128xi32, #tpu.memory_space<vmem>>) target_semaphore(%run_scoped3A : memref<!tpu.dma_semaphore, #tpu.memory_space<semaphore_mem>>)
      %dma_wait3A = arith.constant 40 : i32
      %dma_wait3A_97 = arith.constant 0 : i32
      %dma_wait3A_98 = tpu.memref_slice %arg3[%add3A_22, %dma_wait3A, %dma_wait3A_97] : memref<32x80x128xi32, #tpu.memory_space<hbm>> -> memref<1x40x128xi32, #tpu.memory_space<hbm>>
      %dma_wait3A_99 = tpu.memref_squeeze %dma_wait3A_98 : memref<1x40x128xi32, #tpu.memory_space<hbm>> -> memref<40x128xi32, #tpu.memory_space<hbm>>
      %dma_wait3A_100 = arith.constant 40 : i32
      %dma_wait3A_101 = arith.constant 0 : i32
      %dma_wait3A_102 = tpu.memref_slice %arg3[%add3A_22, %dma_wait3A_100, %dma_wait3A_101] : memref<32x80x128xi32, #tpu.memory_space<hbm>> -> memref<1x40x128xi32, #tpu.memory_space<hbm>>
      %dma_wait3A_103 = tpu.memref_squeeze %dma_wait3A_102 : memref<1x40x128xi32, #tpu.memory_space<hbm>> -> memref<40x128xi32, #tpu.memory_space<hbm>>
      tpu.wait_dma2 semaphore(%run_scoped3A : memref<!tpu.dma_semaphore, #tpu.memory_space<semaphore_mem>>) src(%dma_wait3A_103 : memref<40x128xi32, #tpu.memory_space<hbm>>) dst(%arg7 : memref<40x128xi32, #tpu.memory_space<vmem>>)
      tpu.yield
    }) : () -> ()
    "tpu.region"() ({
      %run_scoped3A = tpu.sem_alloc : memref<!tpu.dma_semaphore, #tpu.memory_space<semaphore_mem>>
      %dma_start3A_89 = arith.constant 40 : i32
      %dma_start3A_90 = arith.constant 0 : i32
      %dma_start3A_91 = tpu.memref_slice %arg4[%arg1, %dma_start3A_89, %dma_start3A_90] : memref<16x80x128xi32, #tpu.memory_space<hbm>> -> memref<1x40x128xi32, #tpu.memory_space<hbm>>
      %dma_start3A_92 = tpu.memref_squeeze %dma_start3A_91 : memref<1x40x128xi32, #tpu.memory_space<hbm>> -> memref<40x128xi32, #tpu.memory_space<hbm>>
      %dma_start3A_93 = arith.constant 40 : i32
      %dma_start3A_94 = arith.constant 0 : i32
      %dma_start3A_95 = tpu.memref_slice %arg4[%arg1, %dma_start3A_93, %dma_start3A_94] : memref<16x80x128xi32, #tpu.memory_space<hbm>> -> memref<1x40x128xi32, #tpu.memory_space<hbm>>
      %dma_start3A_96 = tpu.memref_squeeze %dma_start3A_95 : memref<1x40x128xi32, #tpu.memory_space<hbm>> -> memref<40x128xi32, #tpu.memory_space<hbm>>
      tpu.enqueue_dma source(%dma_start3A_96 : memref<40x128xi32, #tpu.memory_space<hbm>>) target(%arg8 : memref<40x128xi32, #tpu.memory_space<vmem>>) target_semaphore(%run_scoped3A : memref<!tpu.dma_semaphore, #tpu.memory_space<semaphore_mem>>)
      %dma_wait3A = arith.constant 40 : i32
      %dma_wait3A_97 = arith.constant 0 : i32
      %dma_wait3A_98 = tpu.memref_slice %arg4[%arg1, %dma_wait3A, %dma_wait3A_97] : memref<16x80x128xi32, #tpu.memory_space<hbm>> -> memref<1x40x128xi32, #tpu.memory_space<hbm>>
      %dma_wait3A_99 = tpu.memref_squeeze %dma_wait3A_98 : memref<1x40x128xi32, #tpu.memory_space<hbm>> -> memref<40x128xi32, #tpu.memory_space<hbm>>
      %dma_wait3A_100 = arith.constant 40 : i32
      %dma_wait3A_101 = arith.constant 0 : i32
      %dma_wait3A_102 = tpu.memref_slice %arg4[%arg1, %dma_wait3A_100, %dma_wait3A_101] : memref<16x80x128xi32, #tpu.memory_space<hbm>> -> memref<1x40x128xi32, #tpu.memory_space<hbm>>
      %dma_wait3A_103 = tpu.memref_squeeze %dma_wait3A_102 : memref<1x40x128xi32, #tpu.memory_space<hbm>> -> memref<40x128xi32, #tpu.memory_space<hbm>>
      tpu.wait_dma2 semaphore(%run_scoped3A : memref<!tpu.dma_semaphore, #tpu.memory_space<semaphore_mem>>) src(%dma_wait3A_103 : memref<40x128xi32, #tpu.memory_space<hbm>>) dst(%arg8 : memref<40x128xi32, #tpu.memory_space<vmem>>)
      tpu.yield
    }) : () -> ()
    %dma_start3A_41 = arith.constant 0 : i32
    %dma_start3A_42 = arith.constant 0 : i32
    %dma_start3A_43 = tpu.memref_slice %arg7[%dma_start3A_41, %dma_start3A_42] : memref<40x128xi32, #tpu.memory_space<vmem>> -> memref<1x128xi32, #tpu.memory_space<vmem>>
    %dma_start3A_44 = tpu.memref_squeeze %dma_start3A_43 : memref<1x128xi32, #tpu.memory_space<vmem>> -> memref<128xi32, #tpu.memory_space<vmem>>
    %dma_start3A_45 = arith.constant 0 : i32
    %dma_start3A_46 = arith.constant 0 : i32
    %dma_start3A_47 = tpu.memref_slice %arg2[%dma_start3A_45, %dma_start3A_46] : memref<20000x128xf32, #tpu.memory_space<hbm>> -> memref<20000x128xf32, #tpu.memory_space<hbm>>
    tpu.enqueue_indirect_dma source(%dma_start3A_47 : memref<20000x128xf32, #tpu.memory_space<hbm>>) target(%arg9 : memref<128x128xf32, #tpu.memory_space<vmem>>) offsets(%dma_start3A_44 : memref<128xi32, #tpu.memory_space<vmem>>) semaphore(%arg12 : memref<!tpu.dma_semaphore, #tpu.memory_space<semaphore_mem>>)
    %dma_start3A_48 = arith.constant 1 : i32
    %dma_start3A_49 = arith.constant 0 : i32
    %dma_start3A_50 = tpu.memref_slice %arg7[%dma_start3A_48, %dma_start3A_49] : memref<40x128xi32, #tpu.memory_space<vmem>> -> memref<1x128xi32, #tpu.memory_space<vmem>>
    %dma_start3A_51 = tpu.memref_squeeze %dma_start3A_50 : memref<1x128xi32, #tpu.memory_space<vmem>> -> memref<128xi32, #tpu.memory_space<vmem>>
    %dma_start3A_52 = arith.constant 0 : i32
    %dma_start3A_53 = arith.constant 0 : i32
    %dma_start3A_54 = tpu.memref_slice %arg2[%dma_start3A_52, %dma_start3A_53] : memref<20000x128xf32, #tpu.memory_space<hbm>> -> memref<20000x128xf32, #tpu.memory_space<hbm>>
    tpu.enqueue_indirect_dma source(%dma_start3A_54 : memref<20000x128xf32, #tpu.memory_space<hbm>>) target(%arg10 : memref<128x128xf32, #tpu.memory_space<vmem>>) offsets(%dma_start3A_51 : memref<128xi32, #tpu.memory_space<vmem>>) semaphore(%arg13 : memref<!tpu.dma_semaphore, #tpu.memory_space<semaphore_mem>>)
    %scan3A_55 = arith.constant 0 : i32
    %scan3A_56 = arith.constant 0 : i32
    %scan3A_57 = arith.constant 20 : i32
    %scan3A_58 = arith.addi %scan3A_56, %scan3A_57 : i32
    %scan3A_59 = arith.constant 1 : i32
    scf.for %scan3A_89 = %scan3A_56 to %scan3A_58 step %scan3A_59  : i32 {
      %mul3A_90 = arith.constant 2 : i32
      %mul3A_91 = arith.muli %scan3A_89, %mul3A_90 : i32
      %dma_wait3A = arith.constant 0 : i32
      %dma_wait3A_92 = tpu.memref_slice %arg7[%mul3A_91, %dma_wait3A] : memref<40x128xi32, #tpu.memory_space<vmem>> -> memref<1x128xi32, #tpu.memory_space<vmem>>
      %dma_wait3A_93 = tpu.memref_squeeze %dma_wait3A_92 : memref<1x128xi32, #tpu.memory_space<vmem>> -> memref<128xi32, #tpu.memory_space<vmem>>
      %dma_wait3A_94 = arith.constant 0 : i32
      %dma_wait3A_95 = arith.constant 0 : i32
      %dma_wait3A_96 = tpu.memref_slice %arg2[%dma_wait3A_94, %dma_wait3A_95] : memref<20000x128xf32, #tpu.memory_space<hbm>> -> memref<20000x128xf32, #tpu.memory_space<hbm>>
      tpu.wait_indirect_dma semaphore(%arg12 : memref<!tpu.dma_semaphore, #tpu.memory_space<semaphore_mem>>) src(%dma_wait3A_96 : memref<20000x128xf32, #tpu.memory_space<hbm>>) dst(%arg9 : memref<128x128xf32, #tpu.memory_space<vmem>>)
      "tpu.region"() ({
        %run_scoped3A = tpu.sem_alloc : memref<!tpu.dma_semaphore, #tpu.memory_space<semaphore_mem>>
        %dma_start3A_118 = arith.constant 0 : i32
        %dma_start3A_119 = tpu.memref_slice %arg8[%mul3A_91, %dma_start3A_118] : memref<40x128xi32, #tpu.memory_space<vmem>> -> memref<1x128xi32, #tpu.memory_space<vmem>>
        %dma_start3A_120 = tpu.memref_squeeze %dma_start3A_119 : memref<1x128xi32, #tpu.memory_space<vmem>> -> memref<128xi32, #tpu.memory_space<vmem>>
        %dma_start3A_121 = arith.constant 0 : i32
        %dma_start3A_122 = arith.constant 0 : i32
        %dma_start3A_123 = tpu.memref_slice %arg11[%dma_start3A_121, %dma_start3A_122] : memref<10240x128xf32, #tpu.memory_space<vmem_shared>> -> memref<10240x128xf32, #tpu.memory_space<vmem_shared>>
        tpu.enqueue_indirect_dma source(%arg9 : memref<128x128xf32, #tpu.memory_space<vmem>>) target(%dma_start3A_123 : memref<10240x128xf32, #tpu.memory_space<vmem_shared>>) offsets(%dma_start3A_120 : memref<128xi32, #tpu.memory_space<vmem>>) semaphore(%run_scoped3A : memref<!tpu.dma_semaphore, #tpu.memory_space<semaphore_mem>>) {add = true}
        %dma_wait3A_124 = arith.constant 0 : i32
        %dma_wait3A_125 = tpu.memref_slice %arg8[%mul3A_91, %dma_wait3A_124] : memref<40x128xi32, #tpu.memory_space<vmem>> -> memref<1x128xi32, #tpu.memory_space<vmem>>
        %dma_wait3A_126 = tpu.memref_squeeze %dma_wait3A_125 : memref<1x128xi32, #tpu.memory_space<vmem>> -> memref<128xi32, #tpu.memory_space<vmem>>
        %dma_wait3A_127 = arith.constant 0 : i32
        %dma_wait3A_128 = arith.constant 0 : i32
        %dma_wait3A_129 = tpu.memref_slice %arg11[%dma_wait3A_127, %dma_wait3A_128] : memref<10240x128xf32, #tpu.memory_space<vmem_shared>> -> memref<10240x128xf32, #tpu.memory_space<vmem_shared>>
        tpu.wait_indirect_dma semaphore(%run_scoped3A : memref<!tpu.dma_semaphore, #tpu.memory_space<semaphore_mem>>) src(%arg9 : memref<128x128xf32, #tpu.memory_space<vmem>>) dst(%dma_wait3A_129 : memref<10240x128xf32, #tpu.memory_space<vmem_shared>>)
        tpu.yield
      }) : () -> ()
      %add3A_97 = arith.constant 2 : i32
      %add3A_98 = arith.addi %mul3A_91, %add3A_97 : i32
      %lt3A = arith.constant 40 : i32
      %lt3A_99 = arith.cmpi slt, %add3A_98, %lt3A : i32
      %convert_element_type3A = arith.extui %lt3A_99 : i1 to i32
      %cond3A = arith.constant 0 : i32
      %cond3A_100 = arith.cmpi ne, %convert_element_type3A, %cond3A : i32
      scf.if %cond3A_100 {
        %add3A_118 = arith.constant 2 : i32
        %add3A_119 = arith.addi %mul3A_91, %add3A_118 : i32
        %dma_start3A_120 = arith.constant 0 : i32
        %dma_start3A_121 = tpu.memref_slice %arg7[%add3A_119, %dma_start3A_120] : memref<40x128xi32, #tpu.memory_space<vmem>> -> memref<1x128xi32, #tpu.memory_space<vmem>>
        %dma_start3A_122 = tpu.memref_squeeze %dma_start3A_121 : memref<1x128xi32, #tpu.memory_space<vmem>> -> memref<128xi32, #tpu.memory_space<vmem>>
        %dma_start3A_123 = arith.constant 0 : i32
        %dma_start3A_124 = arith.constant 0 : i32
        %dma_start3A_125 = tpu.memref_slice %arg2[%dma_start3A_123, %dma_start3A_124] : memref<20000x128xf32, #tpu.memory_space<hbm>> -> memref<20000x128xf32, #tpu.memory_space<hbm>>
        tpu.enqueue_indirect_dma source(%dma_start3A_125 : memref<20000x128xf32, #tpu.memory_space<hbm>>) target(%arg9 : memref<128x128xf32, #tpu.memory_space<vmem>>) offsets(%dma_start3A_122 : memref<128xi32, #tpu.memory_space<vmem>>) semaphore(%arg12 : memref<!tpu.dma_semaphore, #tpu.memory_space<semaphore_mem>>)
      } else {
      }
      %add3A_101 = arith.constant 1 : i32
      %add3A_102 = arith.addi %mul3A_91, %add3A_101 : i32
      %dma_wait3A_103 = arith.constant 0 : i32
      %dma_wait3A_104 = tpu.memref_slice %arg7[%add3A_102, %dma_wait3A_103] : memref<40x128xi32, #tpu.memory_space<vmem>> -> memref<1x128xi32, #tpu.memory_space<vmem>>
      %dma_wait3A_105 = tpu.memref_squeeze %dma_wait3A_104 : memref<1x128xi32, #tpu.memory_space<vmem>> -> memref<128xi32, #tpu.memory_space<vmem>>
      %dma_wait3A_106 = arith.constant 0 : i32
      %dma_wait3A_107 = arith.constant 0 : i32
      %dma_wait3A_108 = tpu.memref_slice %arg2[%dma_wait3A_106, %dma_wait3A_107] : memref<20000x128xf32, #tpu.memory_space<hbm>> -> memref<20000x128xf32, #tpu.memory_space<hbm>>
      tpu.wait_indirect_dma semaphore(%arg13 : memref<!tpu.dma_semaphore, #tpu.memory_space<semaphore_mem>>) src(%dma_wait3A_108 : memref<20000x128xf32, #tpu.memory_space<hbm>>) dst(%arg10 : memref<128x128xf32, #tpu.memory_space<vmem>>)
      %add3A_109 = arith.constant 1 : i32
      %add3A_110 = arith.addi %mul3A_91, %add3A_109 : i32
      "tpu.region"() ({
        %run_scoped3A = tpu.sem_alloc : memref<!tpu.dma_semaphore, #tpu.memory_space<semaphore_mem>>
        %dma_start3A_118 = arith.constant 0 : i32
        %dma_start3A_119 = tpu.memref_slice %arg8[%add3A_110, %dma_start3A_118] : memref<40x128xi32, #tpu.memory_space<vmem>> -> memref<1x128xi32, #tpu.memory_space<vmem>>
        %dma_start3A_120 = tpu.memref_squeeze %dma_start3A_119 : memref<1x128xi32, #tpu.memory_space<vmem>> -> memref<128xi32, #tpu.memory_space<vmem>>
        %dma_start3A_121 = arith.constant 0 : i32
        %dma_start3A_122 = arith.constant 0 : i32
        %dma_start3A_123 = tpu.memref_slice %arg11[%dma_start3A_121, %dma_start3A_122] : memref<10240x128xf32, #tpu.memory_space<vmem_shared>> -> memref<10240x128xf32, #tpu.memory_space<vmem_shared>>
        tpu.enqueue_indirect_dma source(%arg10 : memref<128x128xf32, #tpu.memory_space<vmem>>) target(%dma_start3A_123 : memref<10240x128xf32, #tpu.memory_space<vmem_shared>>) offsets(%dma_start3A_120 : memref<128xi32, #tpu.memory_space<vmem>>) semaphore(%run_scoped3A : memref<!tpu.dma_semaphore, #tpu.memory_space<semaphore_mem>>) {add = true}
        %dma_wait3A_124 = arith.constant 0 : i32
        %dma_wait3A_125 = tpu.memref_slice %arg8[%add3A_110, %dma_wait3A_124] : memref<40x128xi32, #tpu.memory_space<vmem>> -> memref<1x128xi32, #tpu.memory_space<vmem>>
        %dma_wait3A_126 = tpu.memref_squeeze %dma_wait3A_125 : memref<1x128xi32, #tpu.memory_space<vmem>> -> memref<128xi32, #tpu.memory_space<vmem>>
        %dma_wait3A_127 = arith.constant 0 : i32
        %dma_wait3A_128 = arith.constant 0 : i32
        %dma_wait3A_129 = tpu.memref_slice %arg11[%dma_wait3A_127, %dma_wait3A_128] : memref<10240x128xf32, #tpu.memory_space<vmem_shared>> -> memref<10240x128xf32, #tpu.memory_space<vmem_shared>>
        tpu.wait_indirect_dma semaphore(%run_scoped3A : memref<!tpu.dma_semaphore, #tpu.memory_space<semaphore_mem>>) src(%arg10 : memref<128x128xf32, #tpu.memory_space<vmem>>) dst(%dma_wait3A_129 : memref<10240x128xf32, #tpu.memory_space<vmem_shared>>)
        tpu.yield
      }) : () -> ()
      %add3A_111 = arith.constant 3 : i32
      %add3A_112 = arith.addi %mul3A_91, %add3A_111 : i32
      %lt3A_113 = arith.constant 40 : i32
      %lt3A_114 = arith.cmpi slt, %add3A_112, %lt3A_113 : i32
      %convert_element_type3A_115 = arith.extui %lt3A_114 : i1 to i32
      %cond3A_116 = arith.constant 0 : i32
      %cond3A_117 = arith.cmpi ne, %convert_element_type3A_115, %cond3A_116 : i32
      scf.if %cond3A_117 {
        %add3A_118 = arith.constant 3 : i32
        %add3A_119 = arith.addi %mul3A_91, %add3A_118 : i32
        %dma_start3A_120 = arith.constant 0 : i32
        %dma_start3A_121 = tpu.memref_slice %arg7[%add3A_119, %dma_start3A_120] : memref<40x128xi32, #tpu.memory_space<vmem>> -> memref<1x128xi32, #tpu.memory_space<vmem>>
        %dma_start3A_122 = tpu.memref_squeeze %dma_start3A_121 : memref<1x128xi32, #tpu.memory_space<vmem>> -> memref<128xi32, #tpu.memory_space<vmem>>
        %dma_start3A_123 = arith.constant 0 : i32
        %dma_start3A_124 = arith.constant 0 : i32
        %dma_start3A_125 = tpu.memref_slice %arg2[%dma_start3A_123, %dma_start3A_124] : memref<20000x128xf32, #tpu.memory_space<hbm>> -> memref<20000x128xf32, #tpu.memory_space<hbm>>
        tpu.enqueue_indirect_dma source(%dma_start3A_125 : memref<20000x128xf32, #tpu.memory_space<hbm>>) target(%arg10 : memref<128x128xf32, #tpu.memory_space<vmem>>) offsets(%dma_start3A_122 : memref<128xi32, #tpu.memory_space<vmem>>) semaphore(%arg13 : memref<!tpu.dma_semaphore, #tpu.memory_space<semaphore_mem>>)
      } else {
      }
    }
    %scan3A_60 = arith.constant 20 : i32
    %barrier3A_61 = arith.constant 0 : index
    tpu.barrier barrier_id(%barrier3A_61)
    %mul3A_62 = arith.constant 10240 : i32
    %mul3A_63 = arith.muli %arg0, %mul3A_62 : i32
    %add3A_64 = arith.constant 0 : i32
    %add3A_65 = arith.addi %mul3A_0, %add3A_64 : i32
    %add3A_66 = arith.addi %mul3A_63, %mul3A_0 : i32
    %add3A_67 = arith.constant 0 : i32
    %add3A_68 = arith.addi %add3A_66, %add3A_67 : i32
    "tpu.region"() ({
      %run_scoped3A = tpu.sem_alloc : memref<!tpu.dma_semaphore, #tpu.memory_space<semaphore_mem>>
      %dma_start3A_89 = arith.constant 0 : i32
      %dma_start3A_90 = tpu.memref_slice %arg6[%add3A_68, %dma_start3A_89] : memref<20480x128xf32, #tpu.memory_space<hbm>> -> memref<128x128xf32, #tpu.memory_space<hbm>>
      %dma_start3A_91 = arith.constant 0 : i32
      %dma_start3A_92 = tpu.memref_slice %arg11[%add3A_65, %dma_start3A_91] : memref<10240x128xf32, #tpu.memory_space<vmem_shared>> -> memref<128x128xf32, #tpu.memory_space<vmem_shared>>
      tpu.enqueue_dma source(%dma_start3A_92 : memref<128x128xf32, #tpu.memory_space<vmem_shared>>) target(%dma_start3A_90 : memref<128x128xf32, #tpu.memory_space<hbm>>) target_semaphore(%run_scoped3A : memref<!tpu.dma_semaphore, #tpu.memory_space<semaphore_mem>>)
      %dma_wait3A = arith.constant 0 : i32
      %dma_wait3A_93 = tpu.memref_slice %arg6[%add3A_68, %dma_wait3A] : memref<20480x128xf32, #tpu.memory_space<hbm>> -> memref<128x128xf32, #tpu.memory_space<hbm>>
      %dma_wait3A_94 = arith.constant 0 : i32
      %dma_wait3A_95 = tpu.memref_slice %arg11[%add3A_65, %dma_wait3A_94] : memref<10240x128xf32, #tpu.memory_space<vmem_shared>> -> memref<128x128xf32, #tpu.memory_space<vmem_shared>>
      tpu.wait_dma2 semaphore(%run_scoped3A : memref<!tpu.dma_semaphore, #tpu.memory_space<semaphore_mem>>) src(%dma_wait3A_95 : memref<128x128xf32, #tpu.memory_space<vmem_shared>>) dst(%dma_wait3A_93 : memref<128x128xf32, #tpu.memory_space<hbm>>)
      tpu.yield
    }) : () -> ()
    %add3A_69 = arith.constant 128 : i32
    %add3A_70 = arith.addi %mul3A_0, %add3A_69 : i32
    %add3A_71 = arith.addi %mul3A_63, %mul3A_0 : i32
    %add3A_72 = arith.constant 128 : i32
    %add3A_73 = arith.addi %add3A_71, %add3A_72 : i32
    "tpu.region"() ({
      %run_scoped3A = tpu.sem_alloc : memref<!tpu.dma_semaphore, #tpu.memory_space<semaphore_mem>>
      %dma_start3A_89 = arith.constant 0 : i32
      %dma_start3A_90 = tpu.memref_slice %arg6[%add3A_73, %dma_start3A_89] : memref<20480x128xf32, #tpu.memory_space<hbm>> -> memref<128x128xf32, #tpu.memory_space<hbm>>
      %dma_start3A_91 = arith.constant 0 : i32
      %dma_start3A_92 = tpu.memref_slice %arg11[%add3A_70, %dma_start3A_91] : memref<10240x128xf32, #tpu.memory_space<vmem_shared>> -> memref<128x128xf32, #tpu.memory_space<vmem_shared>>
      tpu.enqueue_dma source(%dma_start3A_92 : memref<128x128xf32, #tpu.memory_space<vmem_shared>>) target(%dma_start3A_90 : memref<128x128xf32, #tpu.memory_space<hbm>>) target_semaphore(%run_scoped3A : memref<!tpu.dma_semaphore, #tpu.memory_space<semaphore_mem>>)
      %dma_wait3A = arith.constant 0 : i32
      %dma_wait3A_93 = tpu.memref_slice %arg6[%add3A_73, %dma_wait3A] : memref<20480x128xf32, #tpu.memory_space<hbm>> -> memref<128x128xf32, #tpu.memory_space<hbm>>
      %dma_wait3A_94 = arith.constant 0 : i32
      %dma_wait3A_95 = tpu.memref_slice %arg11[%add3A_70, %dma_wait3A_94] : memref<10240x128xf32, #tpu.memory_space<vmem_shared>> -> memref<128x128xf32, #tpu.memory_space<vmem_shared>>
      tpu.wait_dma2 semaphore(%run_scoped3A : memref<!tpu.dma_semaphore, #tpu.memory_space<semaphore_mem>>) src(%dma_wait3A_95 : memref<128x128xf32, #tpu.memory_space<vmem_shared>>) dst(%dma_wait3A_93 : memref<128x128xf32, #tpu.memory_space<hbm>>)
      tpu.yield
    }) : () -> ()
    %add3A_74 = arith.constant 256 : i32
    %add3A_75 = arith.addi %mul3A_0, %add3A_74 : i32
    %add3A_76 = arith.addi %mul3A_63, %mul3A_0 : i32
    %add3A_77 = arith.constant 256 : i32
    %add3A_78 = arith.addi %add3A_76, %add3A_77 : i32
    "tpu.region"() ({
      %run_scoped3A = tpu.sem_alloc : memref<!tpu.dma_semaphore, #tpu.memory_space<semaphore_mem>>
      %dma_start3A_89 = arith.constant 0 : i32
      %dma_start3A_90 = tpu.memref_slice %arg6[%add3A_78, %dma_start3A_89] : memref<20480x128xf32, #tpu.memory_space<hbm>> -> memref<128x128xf32, #tpu.memory_space<hbm>>
      %dma_start3A_91 = arith.constant 0 : i32
      %dma_start3A_92 = tpu.memref_slice %arg11[%add3A_75, %dma_start3A_91] : memref<10240x128xf32, #tpu.memory_space<vmem_shared>> -> memref<128x128xf32, #tpu.memory_space<vmem_shared>>
      tpu.enqueue_dma source(%dma_start3A_92 : memref<128x128xf32, #tpu.memory_space<vmem_shared>>) target(%dma_start3A_90 : memref<128x128xf32, #tpu.memory_space<hbm>>) target_semaphore(%run_scoped3A : memref<!tpu.dma_semaphore, #tpu.memory_space<semaphore_mem>>)
      %dma_wait3A = arith.constant 0 : i32
      %dma_wait3A_93 = tpu.memref_slice %arg6[%add3A_78, %dma_wait3A] : memref<20480x128xf32, #tpu.memory_space<hbm>> -> memref<128x128xf32, #tpu.memory_space<hbm>>
      %dma_wait3A_94 = arith.constant 0 : i32
      %dma_wait3A_95 = tpu.memref_slice %arg11[%add3A_75, %dma_wait3A_94] : memref<10240x128xf32, #tpu.memory_space<vmem_shared>> -> memref<128x128xf32, #tpu.memory_space<vmem_shared>>
      tpu.wait_dma2 semaphore(%run_scoped3A : memref<!tpu.dma_semaphore, #tpu.memory_space<semaphore_mem>>) src(%dma_wait3A_95 : memref<128x128xf32, #tpu.memory_space<vmem_shared>>) dst(%dma_wait3A_93 : memref<128x128xf32, #tpu.memory_space<hbm>>)
      tpu.yield
    }) : () -> ()
    %add3A_79 = arith.constant 384 : i32
    %add3A_80 = arith.addi %mul3A_0, %add3A_79 : i32
    %add3A_81 = arith.addi %mul3A_63, %mul3A_0 : i32
    %add3A_82 = arith.constant 384 : i32
    %add3A_83 = arith.addi %add3A_81, %add3A_82 : i32
    "tpu.region"() ({
      %run_scoped3A = tpu.sem_alloc : memref<!tpu.dma_semaphore, #tpu.memory_space<semaphore_mem>>
      %dma_start3A_89 = arith.constant 0 : i32
      %dma_start3A_90 = tpu.memref_slice %arg6[%add3A_83, %dma_start3A_89] : memref<20480x128xf32, #tpu.memory_space<hbm>> -> memref<128x128xf32, #tpu.memory_space<hbm>>
      %dma_start3A_91 = arith.constant 0 : i32
      %dma_start3A_92 = tpu.memref_slice %arg11[%add3A_80, %dma_start3A_91] : memref<10240x128xf32, #tpu.memory_space<vmem_shared>> -> memref<128x128xf32, #tpu.memory_space<vmem_shared>>
      tpu.enqueue_dma source(%dma_start3A_92 : memref<128x128xf32, #tpu.memory_space<vmem_shared>>) target(%dma_start3A_90 : memref<128x128xf32, #tpu.memory_space<hbm>>) target_semaphore(%run_scoped3A : memref<!tpu.dma_semaphore, #tpu.memory_space<semaphore_mem>>)
      %dma_wait3A = arith.constant 0 : i32
      %dma_wait3A_93 = tpu.memref_slice %arg6[%add3A_83, %dma_wait3A] : memref<20480x128xf32, #tpu.memory_space<hbm>> -> memref<128x128xf32, #tpu.memory_space<hbm>>
      %dma_wait3A_94 = arith.constant 0 : i32
      %dma_wait3A_95 = tpu.memref_slice %arg11[%add3A_80, %dma_wait3A_94] : memref<10240x128xf32, #tpu.memory_space<vmem_shared>> -> memref<128x128xf32, #tpu.memory_space<vmem_shared>>
      tpu.wait_dma2 semaphore(%run_scoped3A : memref<!tpu.dma_semaphore, #tpu.memory_space<semaphore_mem>>) src(%dma_wait3A_95 : memref<128x128xf32, #tpu.memory_space<vmem_shared>>) dst(%dma_wait3A_93 : memref<128x128xf32, #tpu.memory_space<hbm>>)
      tpu.yield
    }) : () -> ()
    %add3A_84 = arith.constant 512 : i32
    %add3A_85 = arith.addi %mul3A_0, %add3A_84 : i32
    %add3A_86 = arith.addi %mul3A_63, %mul3A_0 : i32
    %add3A_87 = arith.constant 512 : i32
    %add3A_88 = arith.addi %add3A_86, %add3A_87 : i32
    "tpu.region"() ({
      %run_scoped3A = tpu.sem_alloc : memref<!tpu.dma_semaphore, #tpu.memory_space<semaphore_mem>>
      %dma_start3A_89 = arith.constant 0 : i32
      %dma_start3A_90 = tpu.memref_slice %arg6[%add3A_88, %dma_start3A_89] : memref<20480x128xf32, #tpu.memory_space<hbm>> -> memref<128x128xf32, #tpu.memory_space<hbm>>
      %dma_start3A_91 = arith.constant 0 : i32
      %dma_start3A_92 = tpu.memref_slice %arg11[%add3A_85, %dma_start3A_91] : memref<10240x128xf32, #tpu.memory_space<vmem_shared>> -> memref<128x128xf32, #tpu.memory_space<vmem_shared>>
      tpu.enqueue_dma source(%dma_start3A_92 : memref<128x128xf32, #tpu.memory_space<vmem_shared>>) target(%dma_start3A_90 : memref<128x128xf32, #tpu.memory_space<hbm>>) target_semaphore(%run_scoped3A : memref<!tpu.dma_semaphore, #tpu.memory_space<semaphore_mem>>)
      %dma_wait3A = arith.constant 0 : i32
      %dma_wait3A_93 = tpu.memref_slice %arg6[%add3A_88, %dma_wait3A] : memref<20480x128xf32, #tpu.memory_space<hbm>> -> memref<128x128xf32, #tpu.memory_space<hbm>>
      %dma_wait3A_94 = arith.constant 0 : i32
      %dma_wait3A_95 = tpu.memref_slice %arg11[%add3A_85, %dma_wait3A_94] : memref<10240x128xf32, #tpu.memory_space<vmem_shared>> -> memref<128x128xf32, #tpu.memory_space<vmem_shared>>
      tpu.wait_dma2 semaphore(%run_scoped3A : memref<!tpu.dma_semaphore, #tpu.memory_space<semaphore_mem>>) src(%dma_wait3A_95 : memref<128x128xf32, #tpu.memory_space<vmem_shared>>) dst(%dma_wait3A_93 : memref<128x128xf32, #tpu.memory_space<hbm>>)
      tpu.yield
    }) : () -> ()
    return
  }
}

module attributes {stable_mosaic.version = 14 : i64} {
  func.func @_k2_body(%arg0: i32, %arg1: memref<32x10240xf32, #tpu.memory_space<vmem>>, %arg2: memref<10000x128xf32, #tpu.memory_space<vmem>>, %arg3: memref<10000x128xf32, #tpu.memory_space<vmem>>) attributes {dimension_semantics = [#tpu.dimension_semantics<arbitrary>], iteration_bounds = array<i64: 2>, scalar_prefetch = 0 : i64, scratch_operands = 0 : i64, tpu.core_type = #tpu.core_type<tc>, window_params = [{pipeline_mode = #tpu.pipeline_mode<synchronous>, transform_indices = @transform_0, window_bounds = array<i64: 32, 10240>}, {transform_indices = @transform_1, window_bounds = array<i64: 10000, 128>}, {transform_indices = @transform_2, window_bounds = array<i64: 10000, 128>}]} {
    %get3A = arith.constant 0 : index
    %get3A_0 = arith.constant 0 : index
    %get3A_1 = vector.load %arg1[%get3A, %get3A_0] : memref<32x10240xf32, #tpu.memory_space<vmem>>, vector<32x10240xf32>
    %reduce_sum3A = arith.constant dense<0.000000e+00> : vector<10240xf32>
    %reduce_sum3A_2 = vector.multi_reduction <add>, %get3A_1, %reduce_sum3A [0] : vector<32x10240xf32> to vector<10240xf32>
    %max3A = arith.constant 1.000000e+00 : f32
    %max3A_3 = vector.broadcast %max3A : f32 to vector<10240xf32>
    %max3A_4 = arith.maximumf %reduce_sum3A_2, %max3A_3 : vector<10240xf32>
    %rsqrt3A = math.rsqrt %max3A_4 : vector<10240xf32>
    %get3A_5 = arith.constant 0 : index
    %get3A_6 = arith.constant 0 : index
    %get3A_7 = vector.load %arg2[%get3A_5, %get3A_6] : memref<10000x128xf32, #tpu.memory_space<vmem>>, vector<10000x128xf32>
    %slice3A = vector.extract_strided_slice %rsqrt3A {offsets = [0], sizes = [10000], strides = [1]} : vector<10240xf32> to vector<10000xf32>
    %broadcast_in_dim3A = vector.shape_cast %slice3A : vector<10000xf32> to vector<10000x1xf32>
    %mul3A = vector.broadcast %broadcast_in_dim3A : vector<10000x1xf32> to vector<10000x128xf32>
    %mul3A_8 = arith.mulf %get3A_7, %mul3A : vector<10000x128xf32>
    %swap3A = arith.constant 0 : index
    %swap3A_9 = arith.constant 0 : index
    %swap3A_10 = vector.load %arg3[%swap3A, %swap3A_9] : memref<10000x128xf32, #tpu.memory_space<vmem>>, vector<10000x128xf32>
    tpu.vector_store %arg3[%swap3A, %swap3A_9], %mul3A_8 {strides = array<i32>} : memref<10000x128xf32, #tpu.memory_space<vmem>>, vector<10000x128xf32>,
    return
  }
  func.func @transform_0(%arg0: i32) -> (i32, i32) {
    %c0_i32 = arith.constant 0 : i32
    %c0_i32_0 = arith.constant 0 : i32
    %c0_i32_1 = arith.constant 0 : i32
    return %c0_i32, %c0_i32_0 : i32, i32
  }
  func.func @transform_1(%arg0: i32) -> (i32, i32) {
    %c0_i32 = arith.constant 0 : i32
    %c0_i32_0 = arith.constant 0 : i32
    return %c0_i32, %arg0 : i32, i32
  }
  func.func @transform_2(%arg0: i32) -> (i32, i32) {
    %c0_i32 = arith.constant 0 : i32
    %c0_i32_0 = arith.constant 0 : i32
    return %arg0, %c0_i32 : i32, i32
  }
}

module attributes {stable_mosaic.version = 14 : i64} {
  func.func @_k4_body(%arg0: i32, %arg1: memref<32x10240xf32, #tpu.memory_space<vmem>>, %arg2: memref<10240x128xf32, #tpu.memory_space<vmem>>, %arg3: memref<10000x128xf32, #tpu.memory_space<vmem>>) attributes {dimension_semantics = [#tpu.dimension_semantics<arbitrary>], iteration_bounds = array<i64: 2>, scalar_prefetch = 0 : i64, scratch_operands = 0 : i64, tpu.core_type = #tpu.core_type<tc>, window_params = [{pipeline_mode = #tpu.pipeline_mode<synchronous>, transform_indices = @transform_0, window_bounds = array<i64: 32, 10240>}, {transform_indices = @transform_1, window_bounds = array<i64: 10240, 128>}, {transform_indices = @transform_2, window_bounds = array<i64: 10000, 128>}]} {
    %get3A = arith.constant 0 : index
    %get3A_0 = arith.constant 0 : index
    %get3A_1 = vector.load %arg1[%get3A, %get3A_0] : memref<32x10240xf32, #tpu.memory_space<vmem>>, vector<32x10240xf32>
    %reduce_sum3A = arith.constant dense<0.000000e+00> : vector<10240xf32>
    %reduce_sum3A_2 = vector.multi_reduction <add>, %get3A_1, %reduce_sum3A [0] : vector<32x10240xf32> to vector<10240xf32>
    %max3A = arith.constant 1.000000e+00 : f32
    %max3A_3 = vector.broadcast %max3A : f32 to vector<10240xf32>
    %max3A_4 = arith.maximumf %reduce_sum3A_2, %max3A_3 : vector<10240xf32>
    %rsqrt3A = math.rsqrt %max3A_4 : vector<10240xf32>
    %get3A_5 = arith.constant 0 : index
    %get3A_6 = arith.constant 0 : index
    %get3A_7 = vector.load %arg2[%get3A_5, %get3A_6] : memref<10240x128xf32, #tpu.memory_space<vmem>>, vector<10000x128xf32>
    %slice3A = vector.extract_strided_slice %rsqrt3A {offsets = [0], sizes = [10000], strides = [1]} : vector<10240xf32> to vector<10000xf32>
    %broadcast_in_dim3A = vector.shape_cast %slice3A : vector<10000xf32> to vector<10000x1xf32>
    %mul3A = vector.broadcast %broadcast_in_dim3A : vector<10000x1xf32> to vector<10000x128xf32>
    %mul3A_8 = arith.mulf %get3A_7, %mul3A : vector<10000x128xf32>
    %swap3A = arith.constant 0 : index
    %swap3A_9 = arith.constant 0 : index
    %swap3A_10 = vector.load %arg3[%swap3A, %swap3A_9] : memref<10000x128xf32, #tpu.memory_space<vmem>>, vector<10000x128xf32>
    tpu.vector_store %arg3[%swap3A, %swap3A_9], %mul3A_8 {strides = array<i32>} : memref<10000x128xf32, #tpu.memory_space<vmem>>, vector<10000x128xf32>,
    return
  }
  func.func @transform_0(%arg0: i32) -> (i32, i32) {
    %c0_i32 = arith.constant 0 : i32
    %c0_i32_0 = arith.constant 0 : i32
    %c0_i32_1 = arith.constant 0 : i32
    return %c0_i32, %c0_i32_0 : i32, i32
  }
  func.func @transform_1(%arg0: i32) -> (i32, i32) {
    %c0_i32 = arith.constant 0 : i32
    %c0_i32_0 = arith.constant 0 : i32
    return %arg0, %c0_i32 : i32, i32
  }
  func.func @transform_2(%arg0: i32) -> (i32, i32) {
    %c0_i32 = arith.constant 0 : i32
    %c0_i32_0 = arith.constant 0 : i32
    return %c0_i32, %arg0 : i32, i32
  }
}

</mosaic_0001>

<sc_bundles>
// kernel: kernel.6.cloned.1.call-start
scs
__scs_entry_jumppad:
0x0: {  	(pc) =	sbr.rel $0x88, $3  }
0x1: {  	(tag) =	ssettag $0x0;
	lr =	simm.s32 $0x1  }
0x2: {  	[smem:$0x3F9F] =	sst lr;
	_ =	strace $0xD0000000  }
0x3: {  	_ = 	snop  }
0x4: {  	_ = 	snop  }
0x5: {  	_ = 	snop  }
0x6: {  	_ = 	snop  }
0x7: {  	_ = 	snop  }
__scs_overlays_trampoline_lowered:
0x8: {  	[smem:$0x3FAE] =	sst s0  }
0x9: {  	[smem:$0x3FAF] =	sst s1  }
0xa: {  	[smem:$0x3FB0] =	sst s2  }
0xb: {  	[smem:$0x3FB1] =	sst s3  }
0xc: {  	[smem:$0x3FB2] =	sst s4  }
0xd: {  	[smem:$0x3FB3] =	sst s5  }
0xe: {  	[smem:$0x3FB4] =	sst s6  }
0xf: {  	[smem:$0x3FB5] =	sst s7  }
0x10: {  	[smem:$0x3FB6] =	sst s8  }
0x11: {  	[smem:$0x3FB7] =	sst s9;
	s0 =	simm.s32 @!p0 $0x0  }
0x12: {  	s1 =	sld [smem:$0x3F9D];
	s0 =	simm.s32 @p0 $0x1  }
0x13: {  	[smem:$0x3FB8] =	sst s0;
	s0 =	simm.s32 @!p1 $0x0  }
0x14: {  	s2 =	sld [smem:$0x3F9C];
	s0 =	simm.s32 @p1 $0x1  }
0x15: {  	[smem:$0x3FB9] =	sst s0;
	s0 =	simm.s32 @!p2 $0x0  }
0x16: {  	s3 =	sld [smem:$0x3FDB];
	s0 =	simm.s32 @p2 $0x1  }
0x17: {  	s4 =	simm.s32 $0x1BF5;
	[smem:$0x3FBB] =	sst s0  }
0x18: {  	s0 =	sld [smem:$0x3F9E];
	_ =	swait.ge [sflag:s4], $0x0  }
0x19: {  	s7 =	sld [smem:$0x3F9F]  }
0x1a: {  	s8 =	sadd.s32 $0xFFFFE003, lr  }
0x1b: {  	s9 =	sadd.s32 $0xFFFFFEF7, lr;
	s5 =	simm.s32 $0xFFFFFFFF;
	p2 =	slt.u32 s8, $0xFFFFF086  }
0x1c: {  	p1 =	slt.u32 s9, $0xF7A;
	s5 =	simm.s32 @!p2 $0x0  }
0x1d: {  	s5 =	simm.s32 @p1 $0x1;
	p0 =	seq.s32 s7, s2  }
0x1e: {  	s7 =	smul.u32 @!p0 $0xF7A, s2;
	p2 =	seq.s32 @!p0 s5, $0x0  }
0x1f: {  	s9 =	smul.u32 $0xF7A, s1;
	s8 =	simm.s32 @!p0 $0x1BF5;
	p2 =	por !p2, p0  }
0x20: {  	[sflag:s8] =	ssyncset.s32 @!p0 $0xFFFFF086;
	s6 =	sadd.s32 @!p0 s3, s7;
	s7 =	simm.s32 @!p0 $0x108  }
0x21: {  	s3 =	sadd.s32 s3, s9;
	s6 =	sadd.s32 @!p0 $0x88, s6;
	s7 =	simm.s32 @p2 $0x1082  }
0x22: {  	[simem:s7], [sflag:s8] =	dma.local @!p0 [hbm:s6], $0xF7A  }
0x23: {  	s9 =	sor.u32 $0xD0000000, s2;
	s6 =	simm.s32 $0x108;
	_ =	swait.ge @!p0 [sflag:s8], $0x0  }
0x24: {  	s3 =	sadd.s32 $0x88, s3;
	s6 =	simm.s32 @!p1 $0x1082;
	[sflag:s4] =	ssyncset.s32 $0xFFFFF086  }
0x25: {  	[simem:s6], [sflag:s4] =	dma.local [hbm:s3], $0xF7A  }
0x26: {  	[smem:$0x3F9F] =	sst s1;
	(tag) =	ssettag s2;
	_ =	strace s9  }
0x27: {  	s1 =	sld [smem:$0x3FAF]  }
0x28: {  	s2 =	sld [smem:$0x3FB0]  }
0x29: {  	s4 =	sld [smem:$0x3FB2]  }
0x2a: {  	p0 =	seq.s32 s5, $0x0;
	s5 =	sld [smem:$0x3FB3]  }
0x2b: {  	s6 =	sld [smem:$0x3FB4]  }
0x2c: {  	s7 =	sld [smem:$0x3FB5]  }
0x2d: {  	s3 =	simm.s32 $0x108;
	s8 =	sld [smem:$0x3FB6]  }
0x2e: {  	s3 =	simm.s32 @!p0 $0x1082;
	s9 =	sld [smem:$0x3FB7]  }
0x2f: {  	lr =	sadd.s32 s0, s3;
	s0 =	sld [smem:$0x3FAE]  }
0x30: {  	s3 =	sld [smem:$0x3FB1]  }
0x31: {  	[smem:$0x3FBA] =	sst s10  }
0x32: {  	s10 =	sld [smem:$0x3FB8];
	_ =	sdelay $0x3  }
0x33: {  	p0 =	seq.s32 s10, $0x1;
	s10 =	sld [smem:$0x3FBA];
	_ =	sdelay $0x3  }
0x34: {  	[smem:$0x3FBA] =	sst s10  }
0x35: {  	s10 =	sld [smem:$0x3FB9];
	_ =	sdelay $0x3  }
0x36: {  	p1 =	seq.s32 s10, $0x1;
	s10 =	sld [smem:$0x3FBA];
	_ =	sdelay $0x3  }
0x37: {  	[smem:$0x3FBA] =	sst s10  }
0x38: {  	s10 =	sld [smem:$0x3FBB]  }
0x39: {  	_ = 	snop;
	(pc) =	sbr.ind lr, $3  }
0x3a: {  	_ = 	snop  }
0x3b: {  	_ = 	snop  }
0x3c: {  	p2 =	seq.s32 s10, $0x1;
	s10 =	sld [smem:$0x3FBA]  }
0x3d: {  	_ =	shalt  }
0x3e: {  	_ =	shalt  }
0x3f: {  	_ =	shalt  }
0x40: {  	_ =	shalt  }
0x41: {  	_ =	shalt  }
0x42: {  	_ =	shalt  }
0x43: {  	_ =	shalt  }
0x44: {  	_ =	shalt  }
0x45: {  	_ =	shalt  }
0x46: {  	_ =	shalt  }
0x47: {  	_ =	shalt  }
0x48: {  	_ =	shalt  }
0x49: {  	_ =	shalt  }
0x4a: {  	_ =	shalt  }
0x4b: {  	_ =	shalt  }
0x4c: {  	_ =	shalt  }
0x4d: {  	_ =	shalt  }
0x4e: {  	_ =	shalt  }
0x4f: {  	_ =	shalt  }
0x50: {  	_ =	shalt  }
0x51: {  	_ =	shalt  }
0x52: {  	_ =	shalt  }
0x53: {  	_ =	shalt  }
0x54: {  	_ =	shalt  }
0x55: {  	_ =	shalt  }
0x56: {  	_ =	shalt  }
0x57: {  	_ =	shalt  }
0x58: {  	_ =	shalt  }
0x59: {  	_ =	shalt  }
0x5a: {  	_ =	shalt  }
0x5b: {  	_ =	shalt  }
0x5c: {  	_ =	shalt  }
0x5d: {  	_ =	shalt  }
0x5e: {  	_ =	shalt  }
0x5f: {  	_ =	shalt  }
0x60: {  	_ =	shalt  }
0x61: {  	_ =	shalt  }
0x62: {  	_ =	shalt  }
0x63: {  	_ =	shalt  }
0x64: {  	_ =	shalt  }
0x65: {  	_ =	shalt  }
0x66: {  	_ =	shalt  }
0x67: {  	_ =	shalt  }
0x68: {  	_ =	shalt  }
0x69: {  	_ =	shalt  }
0x6a: {  	_ =	shalt  }
0x6b: {  	_ =	shalt  }
0x6c: {  	_ =	shalt  }
0x6d: {  	_ =	shalt  }
0x6e: {  	_ =	shalt  }
0x6f: {  	_ =	shalt  }
0x70: {  	_ =	shalt  }
0x71: {  	_ =	shalt  }
0x72: {  	_ =	shalt  }
0x73: {  	_ =	shalt  }
0x74: {  	_ =	shalt  }
0x75: {  	_ =	shalt  }
0x76: {  	_ =	shalt  }
0x77: {  	_ =	shalt  }
0x78: {  	_ =	shalt  }
0x79: {  	_ =	shalt  }
0x7a: {  	_ =	shalt  }
0x7b: {  	_ =	shalt  }
0x7c: {  	_ =	shalt  }
0x7d: {  	_ =	shalt  }
0x7e: {  	_ =	shalt  }
0x7f: {  	_ =	shalt  }
0x80: {  	_ =	shalt  }
0x81: {  	_ =	shalt  }
0x82: {  	_ =	shalt  }
0x83: {  	_ =	shalt  }
0x84: {  	_ =	shalt  }
0x85: {  	_ =	shalt  }
0x86: {  	_ =	shalt  }
0x87: {  	_ =	shalt  }
.Lfunc_end0:
.L_simem_size_0:
called_computation_lowered:
.L_overlay_start_0:
0x88: {  	s2 =	sld [smem:$0x3FD9]  }
0x89: {  	s3 =	sld [smem:$0x3FFE];
	_ =	sdelay $0x1  }
0x8a: {  	s1 =	srdreg.scid  }
0x8b: {  	s0 =	sand.u32 $0x1, s1  }
0x8c: {  	s17 =	sshll.u32 s0, $0xA;
	s2 =	sadd.s32 s3, s2  }
0x8d: {  	s2 =	sadd.s32 s2, s17  }
0x8e: {  	[smem:$0x3FC6] =	sst s2  }
0x8f: {  	_ = 	snop  }
0x90: {  	s2 =	sld [smem:$0x3FD0];
	(tm) =	ssettm $0x1  }
0x91: {  	s18 =	sld [smem:$0x3FFB];
	_ =	sdelay $0x3  }
0x92: {  	_ =	strace s18  }
0x93: {  	s3 =	sld [smem:$0x3FFC];
	_ =	sdelay $0x3  }
0x94: {  	_ =	strace s3  }
0x95: {  	s3 =	sld [smem:$0x3FFD];
	_ =	sdelay $0x3  }
0x96: {  	_ =	strace s3  }
0x97: {  	_ =	strace $0x8FFFFFFF  }
0x98: {  	s19 =	sld [smem:$0x3FDB];
	_ =	sdelay $0x1  }
0x99: {  	s4 =	simm.s32 $_scs_section_size  }
0x9a: {  	s5 =	simm.s32 $_size__tile_overlayer_lowered;
	s6 =	simm.s32 $_tile_overlayer_lowered  }
0x9b: {  	s22 =	simm.s32 $0x1BFF;
	s21 =	sshll.u32 s6, $0x1;
	s3 =	sadd.s32 s4, s19  }
0x9c: {  	s7 =	simm.s32 $0x0;
	s20 =	sshll.u32 s5, $0x1;
	s5 =	sadd.s32 s21, s3  }
0x9d: {  	[timem:s7], [sflag:s22] =	dma.local [hbm:s5], s20  }
0x9e: {  	_ =	swait.ge [sflag:s22], s20  }
0x9f: {  	s4 =	ssub.s32 $0x0, s20;
	[sflag:s22] =	ssyncset.done $0x0  }
0xa0: {  	[sflag:s22] =	ssyncadd.s32 s4;
	_ =	sdelay $0x1  }
0xa1: {  	s23 =	simm.s32 $0x1B8B  }
0xa2: {  	_ =	swait.ge [sflag:s23], $0x1  }
0xa3: {  	[sflag:s23] =	ssyncset.done $0x0  }
0xa4: {  	s25 =	simm.s32 $0x1B8E;
	s24 =	sld [smem:$0x3FFE];
	[sflag:s23] =	ssyncadd.s32 $0xFFFFFFFF  }
0xa5: {  	s26 =	simm.s32 $execute0_lowered;
	[smem:$0x3FD2] =	sst s25  }
0xa6: {  	s5 =	sshll.u32 s26, $0x1;
	_ =	strace $0x80000046;
	[dreg:$0x1] =	wrdreg $0xFFFFFFFF  }
0xa7: {  	s28 =	simm.s32 $_size_execute0_lowered;
	s3 =	sadd.s32 s3, s5;
	[dreg:$0x0] =	wrdreg $0x0  }
0xa8: {  	s5 =	sshll.u32 s28, $0x1;
	[dreg:$0x2] =	wrdreg s3  }
0xa9: {  	[dreg:$0x3] =	wrdreg s5  }
0xaa: {  	[dreg:$0x4] =	wrdreg $0xC0  }
0xab: {  	_ =	task [dreg:s7], $0x5FFFF  }
0xac: {  	[dreg:$0x1] =	wrdreg $0xFFFFFFFF  }
0xad: {  	[dreg:$0x0] =	wrdreg $0x60  }
0xae: {  	[dreg:$0x2] =	wrdreg s24  }
0xaf: {  	[dreg:$0x3] =	wrdreg s2  }
0xb0: {  	[dreg:$0x4] =	wrdreg $0x9  }
0xb1: {  	_ =	task.clear_ibuf [dreg:s7], $0x5FFFF;
	_ =	strace $0x90000046  }
0xb2: {  	s29 =	simm.s32 $0x9;
	_ =	strace $0x80000048  }
0xb3: {  	_ =	swait.ge [sflag:s29], $0x1  }
0xb4: {  	[sflag:s29] =	ssyncadd.s32 $0xFFFFFFFF  }
0xb5: {  	_ =	strace $0x90000048  }
0xb6: {  	_ =	sfence  }
0xb7: {  	s30 =	sld [smem:$0x0];
	_ =	sdelay $0x2  }
0xb8: {  	s31 =	sshll.u32 s1, $0xD;
	s1 =	sshrl.u32 s1, $0x2  }
0xb9: {  	s3 =	sand.u32 $0x4000, s31;
	s1 =	sadd.s32 s1, s30  }
0xba: {  	s0 =	sor.u32 s3, s0;
	s1 =	sshll.u32 s1, $0x11  }
0xbb: {  	s0 =	sor.u32 s1, s0  }
0xbc: {  	s0 =	sadd.s32 $0x8F2B, s0  }
0xbd: {  	[sflag:s0] =	ssyncadd.remote.s32 $0x1  }
0xbe: {  	_ =	sfence.sel $0xFFFF  }
0xbf: {  	[dreg:$0x0] =	wrdreg $0xFFFFFFFF;
	(pc) =	sbr.abs _section_cstart, $3  }
0xc0: {  	[dreg:$0x1] =	wrdreg $0xFFFFFFFF  }
0xc1: {  	_ =	task.clear_ibuf [dreg:s7], $0x2FFFF;
	_ =	strace $0x9FFFFFFF  }
0xc2: {  	(tm) =	ssettm $0x7FFFFFFF  }
0xc3: {  	_ =	shalt  }
tec
execute0_lowered:
.L_overlay_start_1:
0x0: {  	(tag) =	ssettag $0x1  }
0x1: {  	s1 =	srdreg.scid;
	s3 =	rddreg [dreg:$0x0]  }
0x2: {  	s0 =	stileid.u32;
	s5 =	rddreg [dreg:$0x1]  }
0x3: {  	s2 =	simm.s32 $0x0;
	s4 =	sand.u32 $0x1, s1;
	s31 =	sshll.u32 s0, $0x1  }
0x4: {  	s10 =	simm.s32 $0x2800;
	s11 =	simm.s32 $0x5000;
	s6 =	sor.u32 s4, s31  }
0x5: {  	s12 =	simm.s32 $0x0;
	s4 =	ssub.s32 $0x2, s4;
	s7 =	smul.u32 $0x280, s6  }
0x6: {  	[smem:$0x7FF] =	sst s2;
	s6 =	smul.u32 $0x500, s6;
	s8 =	sshrl.u32 s4, $0x1  }
0x7: {  	s1 =	rddreg [dreg:$0x2];
	_ =	strace $0x80000047;
	s8 =	ssub.s32 s4, s8  }
0x8: {  	s7 =	sadd.s32 s7, s3;
	s9 =	sadd.s32 s6, s3;
	s5 =	sadd.s32 s5, s6  }
0x9: {  	s3 =	sadd.s32 $0xE00, s7;
	s4 =	sadd.s32 $0x5E00, s7;
	s6 =	sadd.s32 $0xAE00, s9  }
0xa: {  	v0 =	vimm.f32 $0.0e+00;
	v1 =	vimm.f32 $1.000000000e+00;
	s7 =	smax.u32 s8, $0x1;
	s8 =	simm.s32 $0x1;
	s9 =	simm.s32 $0x1400  }
.LBB2_1:
0xb: {  	s13 =	simm.s32 $0x40;
	s14 =	simm.s32 $0x0  }
.LBB2_2:
0xc: {  	p0 =	sne.s32 s13, $0x9FC0;
	[tilespmem:s14+$0x2800] =	vst v0;
	s15 =	smov.u32 s13;
	s13 =	sadd.s32 $0x40, s13  }
.Ltmp0:
0xd: {  	[tilespmem:s14+$0x5000] =	vst v0;
	(pc) =	sbr.rel @p0 .LBB2_2-.Ltmp0, $2  }
0xe: {  	_ =	sdelay $0x2  }
0xf: {  	s14 =	sshra.s32 s15, $0x2  }
0x10: {  	[tilespmem:s14+$0x2800] =	vst v0  }
0x11: {  	[tilespmem:s14+$0x5000] =	vst v0;
	s13 =	simm.s32 $0x0  }
0x12: {  	[tilespmem:s13], [sflag:$0x1] =	stream.linear.gather [hbm4b:s3+s13], $0x1400, $0x38;
	[tilespmem:$0x7800] =	vst v63  }
0x13: {  	_ =	swait.ge [sflag:s8], $0x1400  }
0x14: {  	[sflag:s8] =	ssyncset.done $0x0  }
0x15: {  	[sflag:s8] =	ssyncadd.s32 $0xFFFFEC00  }
0x16: {  	[tilespmem:s9], [sflag:$0x1] =	stream.linear.gather [hbm4b:s4+s13], $0x1400, $0x38;
	[tilespmem:$0x7800] =	vst v63  }
0x17: {  	_ =	swait.ge [sflag:s8], $0x1400  }
0x18: {  	[sflag:s8] =	ssyncset.done $0x0  }
0x19: {  	s14 =	simm.s32 $0x0;
	s13 =	simm.s32 $0x40;
	[sflag:s8] =	ssyncadd.s32 $0xFFFFEC00  }
.LBB2_4:
0x1a: {  	p0 =	sne.s32 s13, $0x4FC0;
	v2 =	vld [tilespmem:s14+$0x0];
	_ =	sdelay $0x7  }
0x1b: {  	[tilespmem:v2+s10+$0x0] =	vst.idx.add.f32.msk $0xffff, v1  }
0x1c: {  	v2 =	vld [tilespmem:s14+$0x1400];
	_ =	sdelay $0x3  }
.Ltmp1:
0x1d: {  	(pc) =	sbr.rel @p0 .LBB2_4-.Ltmp1, $2  }
0x1e: {  	_ =	sdelay $0x2  }
0x1f: {  	s14 =	sshra.s32 s13, $0x2;
	s13 =	sadd.s32 $0x40, s13;
	[tilespmem:v2+s11+$0x0] =	vst.idx.add.f32.msk $0xffff, v1  }
0x20: {  	v2 =	vld [tilespmem:s14+$0x0];
	_ =	sdelay $0x7  }
0x21: {  	[tilespmem:v2+s10+$0x0] =	vst.idx.add.f32.msk $0xffff, v1  }
0x22: {  	v2 =	vld [tilespmem:s14+$0x1400];
	_ =	sdelay $0x7  }
0x23: {  	[tilespmem:v2+s11+$0x0] =	vst.idx.add.f32.msk $0xffff, v1  }
0x24: {  	[hbm4b:s5+s2] =	stream.linear.scatter [tilespmem:s10], [sflag:$0x1], $0x2800, $0x38;
	[tilespmem:$0x7800] =	vst v63  }
0x25: {  	s12 =	sadd.s32 $0x1, s12;
	_ =	swait.ge [sflag:s8], $0x2800  }
0x26: {  	p0 =	sne.s32 s12, s7;
	[sflag:s8] =	ssyncset.done $0x0  }
.Ltmp2:
0x27: {  	[sflag:s8] =	ssyncadd.s32 $0xFFFFD800;
	(pc) =	sbr.rel @p0 .LBB2_1-.Ltmp2, $4  }
0x28: {  	[hbm4b:s6+s2] =	stream.linear.scatter [tilespmem:s11], [sflag:$0x1], $0x2800, $0x38;
	[tilespmem:$0x7800] =	vst v63  }
0x29: {  	_ =	swait.ge [sflag:s8], $0x2800  }
0x2a: {  	[sflag:s8] =	ssyncset.done $0x0  }
0x2b: {  	[sflag:s8] =	ssyncadd.s32 $0xFFFFD800  }
0x2c: {  	_ =	sfence.sel $0x180000  }
0x2d: {  	[bflag:$0x0] =	sbarrier.arrive $0xFFFF  }
0x2e: {  	p0 =	sne.s32 s0, $0x0;
	_ =	strace $0x90000047  }
0x2f: {  	s0 =	sadd.s32 @!p0 $0x100000, s1;
	[bflag:$0x2] =	sbarrier.arrive $0xFFFF  }
0x30: {  	[sflag:s0] =	ssyncadd.tile.s32 @!p0 $0x1;
	_ =	shalt  }
.Lfunc_end2:
_tile_overlayer_lowered:
.L_overlay_start_2:
0x31: {  	(tag) =	ssettag $0x2  }
0x32: {  	s0 =	rddreg [dreg:$0x0];
	s2 =	stileid.u32  }
0x33: {  	s1 =	rddreg [dreg:$0x1];
	p0 =	sne.s32 s2, $0x0  }
0x34: {  	s3 =	rddreg [dreg:$0x2];
	[bflag:$0x3] =	sbarrier.arrive $0xFFFF;
	s2 =	simm.s32 @!p0 $0x1C01  }
0x35: {  	[timem:s3], [sflag:s2] =	dma.local @!p0 [hbm:s0], s1  }
0x36: {  	s0 =	simm.s32 @!p0 $0x1  }
0x37: {  	_ =	swait.ge @!p0 [sflag:s0], s1  }
0x38: {  	s1 =	ssub.s32 @!p0 $0x0, s1;
	[sflag:s0] =	ssyncset.done @!p0 $0x0  }
0x39: {  	[sflag:s0] =	ssyncadd.s32 @!p0 s1  }
0x3a: {  	[bflag:$0x3] =	sbarrier.arrive $0xFFFF  }
0x3b: {  	_ =	shalt  }

// kernel: kernel.9.cloned.1.call-start
scs
__scs_entry_jumppad:
0x0: {  	(pc) =	sbr.rel $0x88, $3  }
0x1: {  	(tag) =	ssettag $0x0;
	lr =	simm.s32 $0x1  }
0x2: {  	[smem:$0x3F9F] =	sst lr;
	_ =	strace $0xD0000000  }
0x3: {  	_ = 	snop  }
0x4: {  	_ = 	snop  }
0x5: {  	_ = 	snop  }
0x6: {  	_ = 	snop  }
0x7: {  	_ = 	snop  }
__scs_overlays_trampoline_lowered:
0x8: {  	[smem:$0x3FAE] =	sst s0  }
0x9: {  	[smem:$0x3FAF] =	sst s1  }
0xa: {  	[smem:$0x3FB0] =	sst s2  }
0xb: {  	[smem:$0x3FB1] =	sst s3  }
0xc: {  	[smem:$0x3FB2] =	sst s4  }
0xd: {  	[smem:$0x3FB3] =	sst s5  }
0xe: {  	[smem:$0x3FB4] =	sst s6  }
0xf: {  	[smem:$0x3FB5] =	sst s7  }
0x10: {  	[smem:$0x3FB6] =	sst s8  }
0x11: {  	[smem:$0x3FB7] =	sst s9;
	s0 =	simm.s32 @!p0 $0x0  }
0x12: {  	s1 =	sld [smem:$0x3F9D];
	s0 =	simm.s32 @p0 $0x1  }
0x13: {  	[smem:$0x3FB8] =	sst s0;
	s0 =	simm.s32 @!p1 $0x0  }
0x14: {  	s2 =	sld [smem:$0x3F9C];
	s0 =	simm.s32 @p1 $0x1  }
0x15: {  	[smem:$0x3FB9] =	sst s0;
	s0 =	simm.s32 @!p2 $0x0  }
0x16: {  	s3 =	sld [smem:$0x3FDB];
	s0 =	simm.s32 @p2 $0x1  }
0x17: {  	s4 =	simm.s32 $0x1BF5;
	[smem:$0x3FBB] =	sst s0  }
0x18: {  	s0 =	sld [smem:$0x3F9E];
	_ =	swait.ge [sflag:s4], $0x0  }
0x19: {  	s7 =	sld [smem:$0x3F9F]  }
0x1a: {  	s8 =	sadd.s32 $0xFFFFE003, lr  }
0x1b: {  	s9 =	sadd.s32 $0xFFFFFEF7, lr;
	s5 =	simm.s32 $0xFFFFFFFF;
	p2 =	slt.u32 s8, $0xFFFFF086  }
0x1c: {  	p1 =	slt.u32 s9, $0xF7A;
	s5 =	simm.s32 @!p2 $0x0  }
0x1d: {  	s5 =	simm.s32 @p1 $0x1;
	p0 =	seq.s32 s7, s2  }
0x1e: {  	s7 =	smul.u32 @!p0 $0xF7A, s2;
	p2 =	seq.s32 @!p0 s5, $0x0  }
0x1f: {  	s9 =	smul.u32 $0xF7A, s1;
	s8 =	simm.s32 @!p0 $0x1BF5;
	p2 =	por !p2, p0  }
0x20: {  	[sflag:s8] =	ssyncset.s32 @!p0 $0xFFFFF086;
	s6 =	sadd.s32 @!p0 s3, s7;
	s7 =	simm.s32 @!p0 $0x108  }
0x21: {  	s3 =	sadd.s32 s3, s9;
	s6 =	sadd.s32 @!p0 $0x88, s6;
	s7 =	simm.s32 @p2 $0x1082  }
0x22: {  	[simem:s7], [sflag:s8] =	dma.local @!p0 [hbm:s6], $0xF7A  }
0x23: {  	s9 =	sor.u32 $0xD0000000, s2;
	s6 =	simm.s32 $0x108;
	_ =	swait.ge @!p0 [sflag:s8], $0x0  }
0x24: {  	s3 =	sadd.s32 $0x88, s3;
	s6 =	simm.s32 @!p1 $0x1082;
	[sflag:s4] =	ssyncset.s32 $0xFFFFF086  }
0x25: {  	[simem:s6], [sflag:s4] =	dma.local [hbm:s3], $0xF7A  }
0x26: {  	[smem:$0x3F9F] =	sst s1;
	(tag) =	ssettag s2;
	_ =	strace s9  }
0x27: {  	s1 =	sld [smem:$0x3FAF]  }
0x28: {  	s2 =	sld [smem:$0x3FB0]  }
0x29: {  	s4 =	sld [smem:$0x3FB2]  }
0x2a: {  	p0 =	seq.s32 s5, $0x0;
	s5 =	sld [smem:$0x3FB3]  }
0x2b: {  	s6 =	sld [smem:$0x3FB4]  }
0x2c: {  	s7 =	sld [smem:$0x3FB5]  }
0x2d: {  	s3 =	simm.s32 $0x108;
	s8 =	sld [smem:$0x3FB6]  }
0x2e: {  	s3 =	simm.s32 @!p0 $0x1082;
	s9 =	sld [smem:$0x3FB7]  }
0x2f: {  	lr =	sadd.s32 s0, s3;
	s0 =	sld [smem:$0x3FAE]  }
0x30: {  	s3 =	sld [smem:$0x3FB1]  }
0x31: {  	[smem:$0x3FBA] =	sst s10  }
0x32: {  	s10 =	sld [smem:$0x3FB8];
	_ =	sdelay $0x3  }
0x33: {  	p0 =	seq.s32 s10, $0x1;
	s10 =	sld [smem:$0x3FBA];
	_ =	sdelay $0x3  }
0x34: {  	[smem:$0x3FBA] =	sst s10  }
0x35: {  	s10 =	sld [smem:$0x3FB9];
	_ =	sdelay $0x3  }
0x36: {  	p1 =	seq.s32 s10, $0x1;
	s10 =	sld [smem:$0x3FBA];
	_ =	sdelay $0x3  }
0x37: {  	[smem:$0x3FBA] =	sst s10  }
0x38: {  	s10 =	sld [smem:$0x3FBB]  }
0x39: {  	_ = 	snop;
	(pc) =	sbr.ind lr, $3  }
0x3a: {  	_ = 	snop  }
0x3b: {  	_ = 	snop  }
0x3c: {  	p2 =	seq.s32 s10, $0x1;
	s10 =	sld [smem:$0x3FBA]  }
0x3d: {  	_ =	shalt  }
0x3e: {  	_ =	shalt  }
0x3f: {  	_ =	shalt  }
0x40: {  	_ =	shalt  }
0x41: {  	_ =	shalt  }
0x42: {  	_ =	shalt  }
0x43: {  	_ =	shalt  }
0x44: {  	_ =	shalt  }
0x45: {  	_ =	shalt  }
0x46: {  	_ =	shalt  }
0x47: {  	_ =	shalt  }
0x48: {  	_ =	shalt  }
0x49: {  	_ =	shalt  }
0x4a: {  	_ =	shalt  }
0x4b: {  	_ =	shalt  }
0x4c: {  	_ =	shalt  }
0x4d: {  	_ =	shalt  }
0x4e: {  	_ =	shalt  }
0x4f: {  	_ =	shalt  }
0x50: {  	_ =	shalt  }
0x51: {  	_ =	shalt  }
0x52: {  	_ =	shalt  }
0x53: {  	_ =	shalt  }
0x54: {  	_ =	shalt  }
0x55: {  	_ =	shalt  }
0x56: {  	_ =	shalt  }
0x57: {  	_ =	shalt  }
0x58: {  	_ =	shalt  }
0x59: {  	_ =	shalt  }
0x5a: {  	_ =	shalt  }
0x5b: {  	_ =	shalt  }
0x5c: {  	_ =	shalt  }
0x5d: {  	_ =	shalt  }
0x5e: {  	_ =	shalt  }
0x5f: {  	_ =	shalt  }
0x60: {  	_ =	shalt  }
0x61: {  	_ =	shalt  }
0x62: {  	_ =	shalt  }
0x63: {  	_ =	shalt  }
0x64: {  	_ =	shalt  }
0x65: {  	_ =	shalt  }
0x66: {  	_ =	shalt  }
0x67: {  	_ =	shalt  }
0x68: {  	_ =	shalt  }
0x69: {  	_ =	shalt  }
0x6a: {  	_ =	shalt  }
0x6b: {  	_ =	shalt  }
0x6c: {  	_ =	shalt  }
0x6d: {  	_ =	shalt  }
0x6e: {  	_ =	shalt  }
0x6f: {  	_ =	shalt  }
0x70: {  	_ =	shalt  }
0x71: {  	_ =	shalt  }
0x72: {  	_ =	shalt  }
0x73: {  	_ =	shalt  }
0x74: {  	_ =	shalt  }
0x75: {  	_ =	shalt  }
0x76: {  	_ =	shalt  }
0x77: {  	_ =	shalt  }
0x78: {  	_ =	shalt  }
0x79: {  	_ =	shalt  }
0x7a: {  	_ =	shalt  }
0x7b: {  	_ =	shalt  }
0x7c: {  	_ =	shalt  }
0x7d: {  	_ =	shalt  }
0x7e: {  	_ =	shalt  }
0x7f: {  	_ =	shalt  }
0x80: {  	_ =	shalt  }
0x81: {  	_ =	shalt  }
0x82: {  	_ =	shalt  }
0x83: {  	_ =	shalt  }
0x84: {  	_ =	shalt  }
0x85: {  	_ =	shalt  }
0x86: {  	_ =	shalt  }
0x87: {  	_ =	shalt  }
.Lfunc_end0:
.L_simem_size_0:
called_computation.1_lowered:
.L_overlay_start_0:
0x88: {  	s2 =	sld [smem:$0x3FD9]  }
0x89: {  	s3 =	sld [smem:$0x3FFE];
	_ =	sdelay $0x1  }
0x8a: {  	s1 =	srdreg.scid  }
0x8b: {  	s0 =	sand.u32 $0x1, s1  }
0x8c: {  	s17 =	sshll.u32 s0, $0xA;
	s2 =	sadd.s32 s3, s2  }
0x8d: {  	s2 =	sadd.s32 s2, s17  }
0x8e: {  	[smem:$0x3FC6] =	sst s2  }
0x8f: {  	_ = 	snop  }
0x90: {  	s2 =	sld [smem:$0x3FD0];
	(tm) =	ssettm $0x1  }
0x91: {  	s18 =	sld [smem:$0x3FFB];
	_ =	sdelay $0x3  }
0x92: {  	_ =	strace s18  }
0x93: {  	s3 =	sld [smem:$0x3FFC];
	_ =	sdelay $0x3  }
0x94: {  	_ =	strace s3  }
0x95: {  	s3 =	sld [smem:$0x3FFD];
	_ =	sdelay $0x3  }
0x96: {  	_ =	strace s3  }
0x97: {  	_ =	strace $0x8FFFFFFF  }
0x98: {  	s19 =	sld [smem:$0x3FDB];
	_ =	sdelay $0x1  }
0x99: {  	s4 =	simm.s32 $_scs_section_size  }
0x9a: {  	s5 =	simm.s32 $_size__tile_overlayer_lowered;
	s6 =	simm.s32 $_tile_overlayer_lowered  }
0x9b: {  	s22 =	simm.s32 $0x1BFF;
	s21 =	sshll.u32 s6, $0x1;
	s3 =	sadd.s32 s4, s19  }
0x9c: {  	s7 =	simm.s32 $0x0;
	s20 =	sshll.u32 s5, $0x1;
	s5 =	sadd.s32 s21, s3  }
0x9d: {  	[timem:s7], [sflag:s22] =	dma.local [hbm:s5], s20  }
0x9e: {  	_ =	swait.ge [sflag:s22], s20  }
0x9f: {  	s4 =	ssub.s32 $0x0, s20;
	[sflag:s22] =	ssyncset.done $0x0  }
0xa0: {  	[sflag:s22] =	ssyncadd.s32 s4;
	_ =	sdelay $0x1  }
0xa1: {  	s23 =	simm.s32 $0x1B8B  }
0xa2: {  	_ =	swait.ge [sflag:s23], $0x1  }
0xa3: {  	[sflag:s23] =	ssyncset.done $0x0  }
0xa4: {  	s25 =	simm.s32 $0x1B8E;
	s24 =	sld [smem:$0x3FFE];
	[sflag:s23] =	ssyncadd.s32 $0xFFFFFFFF  }
0xa5: {  	s26 =	simm.s32 $execute0_lowered;
	[smem:$0x3FD2] =	sst s25  }
0xa6: {  	s5 =	sshll.u32 s26, $0x1;
	_ =	strace $0x80000049;
	[dreg:$0x1] =	wrdreg $0xFFFFFFFF  }
0xa7: {  	s28 =	simm.s32 $_size_execute0_lowered;
	s3 =	sadd.s32 s3, s5;
	[dreg:$0x0] =	wrdreg $0x0  }
0xa8: {  	s5 =	sshll.u32 s28, $0x1;
	[dreg:$0x2] =	wrdreg s3  }
0xa9: {  	[dreg:$0x3] =	wrdreg s5  }
0xaa: {  	[dreg:$0x4] =	wrdreg $0xC0  }
0xab: {  	_ =	task [dreg:s7], $0x5FFFF  }
0xac: {  	[dreg:$0x1] =	wrdreg $0xFFFFFFFF  }
0xad: {  	[dreg:$0x0] =	wrdreg $0x60  }
0xae: {  	[dreg:$0x2] =	wrdreg s2  }
0xaf: {  	[dreg:$0x3] =	wrdreg s24  }
0xb0: {  	[dreg:$0x4] =	wrdreg $0xA8000  }
0xb1: {  	[dreg:$0x5] =	wrdreg $0x9  }
0xb2: {  	_ =	task.clear_ibuf [dreg:s7], $0x6FFFF;
	_ =	strace $0x90000049  }
0xb3: {  	s29 =	simm.s32 $0x9;
	_ =	strace $0x8000004B  }
0xb4: {  	_ =	swait.ge [sflag:s29], $0x1  }
0xb5: {  	[sflag:s29] =	ssyncadd.s32 $0xFFFFFFFF  }
0xb6: {  	_ =	strace $0x9000004B  }
0xb7: {  	_ =	sfence  }
0xb8: {  	s30 =	sld [smem:$0x0];
	_ =	sdelay $0x2  }
0xb9: {  	s31 =	sshll.u32 s1, $0xD;
	s1 =	sshrl.u32 s1, $0x2  }
0xba: {  	s3 =	sand.u32 $0x4000, s31;
	s1 =	sadd.s32 s1, s30  }
0xbb: {  	s0 =	sor.u32 s3, s0;
	s1 =	sshll.u32 s1, $0x11  }
0xbc: {  	s0 =	sor.u32 s1, s0  }
0xbd: {  	s0 =	sadd.s32 $0x8F2B, s0  }
0xbe: {  	[sflag:s0] =	ssyncadd.remote.s32 $0x1  }
0xbf: {  	_ =	sfence.sel $0xFFFF  }
0xc0: {  	[dreg:$0x0] =	wrdreg $0xFFFFFFFF;
	(pc) =	sbr.abs _section_cstart, $3  }
0xc1: {  	[dreg:$0x1] =	wrdreg $0xFFFFFFFF  }
0xc2: {  	_ =	task.clear_ibuf [dreg:s7], $0x2FFFF;
	_ =	strace $0x9FFFFFFF  }
0xc3: {  	(tm) =	ssettm $0x7FFFFFFF  }
tec
execute0_lowered:
.L_overlay_start_1:
0x0: {  	(tag) =	ssettag $0x1  }
0x1: {  	s2 =	rddreg [dreg:$0x0]  }
0x2: {  	s0 =	srdreg.scid;
	s5 =	rddreg [dreg:$0x1]  }
0x3: {  	s12 =	stileid.u32;
	s3 =	rddreg [dreg:$0x2]  }
0x4: {  	s4 =	simm.s32 $0x0;
	s28 =	simm.s32 $0x1400;
	s29 =	simm.s32 $0x80  }
0x5: {  	s30 =	simm.s32 $0x2800;
	s31 =	simm.s32 $0x6800;
	s6 =	smul.u32 $0x2800, s12  }
0x6: {  	s0 =	sand.u32 $0x1, s0;
	s8 =	smul.u32 $0x280, s12;
	[smem:$0x7FF] =	sst s4  }
0x7: {  	s10 =	smul.u32 $0x50000, s12;
	s11 =	sadd.s32 $0x1EE00, s5;
	s14 =	sshll.u32 s12, $0x6  }
0x8: {  	s1 =	sshll.u32 s0, $0x4;
	s7 =	smul.u32 $0x2800, s0;
	_ =	strace $0x8000004A  }
0x9: {  	s0 =	ssub.s32 $0x2, s0;
	s1 =	sor.u32 s12, s1;
	s9 =	sshrl.u32 s6, $0x3  }
0xa: {  	s26 =	sshrl.u32 s0, $0x1;
	s10 =	sshrl.u32 s10, $0x2;
	s6 =	sadd.s32 s11, s6  }
0xb: {  	s15 =	sadd.s32 $0x80, s8;
	s17 =	sadd.s32 $0x100, s8;
	s20 =	sadd.s32 $0x180, s8  }
0xc: {  	s1 =	smul.u32 $0x2800, s1;
	s9 =	sadd.s32 s9, s5;
	s7 =	sadd.s32 s8, s7  }
0xd: {  	s0 =	ssub.s32 s0, s26;
	s13 =	sadd.s32 s10, s3;
	[dreg:$0x5] =	wrdreg s6  }
0xe: {  	s16 =	sshll.u32 s15, $0x7;
	s6 =	sshll.u32 s15, $0x4;
	s18 =	sshll.u32 s17, $0x7  }
0xf: {  	s19 =	sshll.u32 s17, $0x4;
	s21 =	sshll.u32 s20, $0x7;
	s8 =	sadd.s32 $0x200, s8  }
0x10: {  	s22 =	sshll.u32 s20, $0x4;
	s7 =	sshll.u32 s7, $0x4;
	[dreg:$0x4] =	wrdreg s13  }
0x11: {  	s10 =	sadd.s32 s16, s3;
	s6 =	sadd.s32 s11, s6;
	s23 =	sshll.u32 s8, $0x7  }
0x12: {  	s25 =	sshll.u32 s8, $0x4;
	s17 =	sadd.s32 $0x5E00, s9;
	[dreg:$0x6] =	wrdreg s10  }
0x13: {  	s8 =	simm.s32 $0x0;
	s1 =	sshrl.u32 s1, $0x3;
	[dreg:$0x7] =	wrdreg s6  }
0x14: {  	s6 =	sadd.s32 s18, s3;
	s24 =	sadd.s32 s23, s3;
	s1 =	sadd.s32 s1, s5  }
0x15: {  	s5 =	sadd.s32 s7, s5;
	s7 =	sor.u32 $0x1C03, s14;
	[dreg:$0x8] =	wrdreg s6  }
0x16: {  	s6 =	sadd.s32 s11, s19;
	[dreg:$0xc] =	wrdreg s24;
	s19 =	sadd.s32 $0x6080, s9  }
0x17: {  	[dreg:$0x9] =	wrdreg s6;
	s6 =	sadd.s32 s21, s3;
	s26 =	sadd.s32 $0x14E00, s1  }
0x18: {  	s18 =	sadd.s32 $0x15080, s1;
	s20 =	sadd.s32 $0x46E00, s5;
	s21 =	sadd.s32 $0x47600, s5  }
0x19: {  	s23 =	sadd.s32 $0x48600, s5;
	s24 =	sadd.s32 $0x48E00, s5;
	[dreg:$0xa] =	wrdreg s6  }
0x1a: {  	s1 =	simm.s32 $0x1;
	s6 =	sadd.s32 s11, s22;
	[dreg:$0xe] =	wrdreg s26  }
0x1b: {  	s22 =	sadd.s32 $0x47E00, s5;
	s26 =	simm.s32 $0x3;
	s5 =	simm.s32 $0x2700  }
0x1c: {  	[dreg:$0xb] =	wrdreg s6;
	s6 =	sadd.s32 s11, s25;
	s25 =	smax.u32 s0, $0x1  }
0x1d: {  	s0 =	simm.s32 $0x2;
	[dreg:$0xd] =	wrdreg s6;
	s6 =	simm.s32 $0x2780  }
.LBB2_1:
0x1e: {  	s9 =	rddreg [dreg:$0x4]  }
0x1f: {  	s10 =	rddreg [dreg:$0x5];
	s9 =	sshrl.u32 s9, $0x3  }
0x20: {  	[spmem:s9], [sflag:s7] =	dma.local [hbm:s10], $0x800  }
0x21: {  	_ =	swait.ge [sflag:s26], $0x800  }
0x22: {  	[sflag:s26] =	ssyncset.done $0x0;
	s11 =	rddreg [dreg:$0x6]  }
0x23: {  	[sflag:s26] =	ssyncadd.s32 $0xFFFFF800;
	s10 =	sshrl.u32 s11, $0x3;
	s11 =	rddreg [dreg:$0x7]  }
0x24: {  	[spmem:s10], [sflag:s7] =	dma.local [hbm:s11], $0x800  }
0x25: {  	_ =	swait.ge [sflag:s26], $0x800  }
0x26: {  	[sflag:s26] =	ssyncset.done $0x0;
	s12 =	rddreg [dreg:$0x8]  }
0x27: {  	[sflag:s26] =	ssyncadd.s32 $0xFFFFF800;
	s11 =	sshrl.u32 s12, $0x3;
	s12 =	rddreg [dreg:$0x9]  }
0x28: {  	[spmem:s11], [sflag:s7] =	dma.local [hbm:s12], $0x800  }
0x29: {  	_ =	swait.ge [sflag:s26], $0x800  }
0x2a: {  	[sflag:s26] =	ssyncset.done $0x0;
	s13 =	rddreg [dreg:$0xa]  }
0x2b: {  	[sflag:s26] =	ssyncadd.s32 $0xFFFFF800;
	s12 =	sshrl.u32 s13, $0x3;
	s13 =	rddreg [dreg:$0xb]  }
0x2c: {  	[spmem:s12], [sflag:s7] =	dma.local [hbm:s13], $0x800  }
0x2d: {  	_ =	swait.ge [sflag:s26], $0x800  }
0x2e: {  	[sflag:s26] =	ssyncset.done $0x0;
	s14 =	rddreg [dreg:$0xc]  }
0x2f: {  	[sflag:s26] =	ssyncadd.s32 $0xFFFFF800;
	s13 =	sshrl.u32 s14, $0x3;
	s14 =	rddreg [dreg:$0xd]  }
0x30: {  	[spmem:s13], [sflag:s7] =	dma.local [hbm:s14], $0x800  }
0x31: {  	_ =	swait.ge [sflag:s26], $0x800  }
0x32: {  	[sflag:s26] =	ssyncset.done $0x0  }
0x33: {  	[sflag:s26] =	ssyncadd.s32 $0xFFFFF800  }
0x34: {  	[bflag:$0x0] =	sbarrier.arrive $0xFFFF  }
0x35: {  	s15 =	rddreg [dreg:$0xe]  }
0x36: {  	[tilespmem:s4], [sflag:$0x3] =	stream.linear.gather [hbm4b:s15+s4], $0x1400, $0x38;
	[tilespmem:$0x1E800] =	vst v63  }
0x37: {  	_ =	swait.ge [sflag:s26], $0x1400  }
0x38: {  	[sflag:s26] =	ssyncset.done $0x0  }
0x39: {  	[sflag:s26] =	ssyncadd.s32 $0xFFFFEC00  }
0x3a: {  	[tilespmem:s28], [sflag:$0x3] =	stream.linear.gather [hbm4b:s17+s4], $0x1400, $0x38;
	[tilespmem:$0x1E800] =	vst v63  }
0x3b: {  	_ =	swait.ge [sflag:s26], $0x1400  }
0x3c: {  	[sflag:s26] =	ssyncset.done $0x0  }
0x3d: {  	[sflag:s26] =	ssyncadd.s32 $0xFFFFEC00  }
0x3e: {  	[tilespmem:s30], [sflag:$0x1] =	stream.indirect.gather [hbm4b:s2+s29], $0x80, s4, s29, $0xb8;
	[tilespmem:$0x1E800] =	vst v63  }
0x3f: {  	_ = 	snop  }
0x40: {  	[tilespmem:s31], [sflag:$0x2] =	stream.indirect.gather [hbm4b:s2+s29], $0x80, s29, s29, $0xb8;
	[tilespmem:$0x1E800] =	vst v63  }
0x41: {  	_ =	swait.ge [sflag:s1], $0x4000  }
0x42: {  	[sflag:s1] =	ssyncset.done $0x0  }
0x43: {  	s16 =	simm.s32 $0x1400;
	[sflag:s1] =	ssyncadd.s32 $0xFFFFC000  }
0x44: {  	[spmem:s3] =	stream.indirect.scatter.add.f32 [tilespmem:s30], [sflag:$0x3], $0x80, s16, s29, $0xb8;
	[tilespmem:$0x1E800] =	vst v63  }
0x45: {  	_ =	swait.ge [sflag:s26], $0x4000  }
0x46: {  	[sflag:s26] =	ssyncset.done $0x0  }
0x47: {  	s15 =	simm.s32 $0x100;
	[sflag:s26] =	ssyncadd.s32 $0xFFFFC000  }
0x48: {  	[tilespmem:s30], [sflag:$0x1] =	stream.indirect.gather [hbm4b:s2+s29], $0x80, s15, s29, $0xb8;
	[tilespmem:$0x1E800] =	vst v63  }
0x49: {  	_ =	swait.ge [sflag:s0], $0x4000  }
0x4a: {  	[sflag:s0] =	ssyncset.done $0x0  }
0x4b: {  	s16 =	simm.s32 $0x1480;
	[sflag:s0] =	ssyncadd.s32 $0xFFFFC000  }
0x4c: {  	[spmem:s3] =	stream.indirect.scatter.add.f32 [tilespmem:s31], [sflag:$0x3], $0x80, s16, s29, $0xb8;
	[tilespmem:$0x1E800] =	vst v63  }
0x4d: {  	_ =	swait.ge [sflag:s26], $0x4000  }
0x4e: {  	[sflag:s26] =	ssyncset.done $0x0  }
0x4f: {  	s14 =	simm.s32 $0x400;
	s15 =	simm.s32 $0x180;
	[sflag:s26] =	ssyncadd.s32 $0xFFFFC000  }
.LBB2_2:
0x50: {  	[tilespmem:s31], [sflag:$0x2] =	stream.indirect.gather [hbm4b:s2+s29], $0x80, s15, s29, $0xb8;
	[tilespmem:$0x1E800] =	vst v63  }
0x51: {  	s15 =	smov.u32 s14  }
0x52: {  	p0 =	sne.s32 s14, $0x4800;
	s14 =	sadd.s32 $0x400, s14;
	_ =	swait.ge [sflag:s1], $0x4000  }
0x53: {  	s15 =	sshra.s32 s15, $0x2;
	[sflag:s1] =	ssyncset.done $0x0  }
0x54: {  	s16 =	sadd.s32 $0x1400, s15;
	[sflag:s1] =	ssyncadd.s32 $0xFFFFC000  }
0x55: {  	[spmem:s3] =	stream.indirect.scatter.add.f32 [tilespmem:s30], [sflag:$0x3], $0x80, s16, s29, $0xb8;
	[tilespmem:$0x1E800] =	vst v63  }
0x56: {  	_ =	swait.ge [sflag:s26], $0x4000  }
0x57: {  	[sflag:s26] =	ssyncset.done $0x0  }
0x58: {  	s16 =	sadd.s32 $0x100, s15;
	[sflag:s26] =	ssyncadd.s32 $0xFFFFC000  }
0x59: {  	[tilespmem:s30], [sflag:$0x1] =	stream.indirect.gather [hbm4b:s2+s29], $0x80, s16, s29, $0xb8;
	[tilespmem:$0x1E800] =	vst v63  }
0x5a: {  	_ =	swait.ge [sflag:s0], $0x4000  }
0x5b: {  	[sflag:s0] =	ssyncset.done $0x0  }
.Ltmp0:
0x5c: {  	s16 =	sadd.s32 $0x1480, s15;
	[sflag:s0] =	ssyncadd.s32 $0xFFFFC000;
	(pc) =	sbr.rel @p0 .LBB2_2-.Ltmp0, $4  }
0x5d: {  	[spmem:s3] =	stream.indirect.scatter.add.f32 [tilespmem:s31], [sflag:$0x3], $0x80, s16, s29, $0xb8;
	[tilespmem:$0x1E800] =	vst v63  }
0x5e: {  	_ =	swait.ge [sflag:s26], $0x4000  }
0x5f: {  	[sflag:s26] =	ssyncset.done $0x0  }
0x60: {  	s15 =	sadd.s32 $0x180, s15;
	[sflag:s26] =	ssyncadd.s32 $0xFFFFC000  }
0x61: {  	[tilespmem:s31], [sflag:$0x2] =	stream.indirect.gather [hbm4b:s2+s29], $0x80, s15, s29, $0xb8;
	[tilespmem:$0x1E800] =	vst v63  }
0x62: {  	_ =	swait.ge [sflag:s1], $0x4000  }
0x63: {  	[sflag:s1] =	ssyncset.done $0x0  }
0x64: {  	[sflag:s1] =	ssyncadd.s32 $0xFFFFC000  }
0x65: {  	[spmem:s3] =	stream.indirect.scatter.add.f32 [tilespmem:s30], [sflag:$0x3], $0x80, s5, s29, $0xb8;
	[tilespmem:$0x1E800] =	vst v63  }
0x66: {  	_ =	swait.ge [sflag:s26], $0x4000  }
0x67: {  	[sflag:s26] =	ssyncset.done $0x0  }
0x68: {  	[sflag:s26] =	ssyncadd.s32 $0xFFFFC000  }
0x69: {  	_ =	swait.ge [sflag:s0], $0x4000  }
0x6a: {  	[sflag:s0] =	ssyncset.done $0x0  }
0x6b: {  	[sflag:s0] =	ssyncadd.s32 $0xFFFFC000  }
0x6c: {  	[spmem:s3] =	stream.indirect.scatter.add.f32 [tilespmem:s31], [sflag:$0x3], $0x80, s6, s29, $0xb8;
	[tilespmem:$0x1E800] =	vst v63  }
0x6d: {  	_ =	swait.ge [sflag:s26], $0x4000  }
0x6e: {  	[sflag:s26] =	ssyncset.done $0x0  }
0x6f: {  	s14 =	simm.s32 $0x0;
	[sflag:s26] =	ssyncadd.s32 $0xFFFFC000  }
0x70: {  	[tilespmem:s14], [sflag:$0x3] =	stream.linear.gather [hbm4b:s18+s14], $0x1400, $0x38;
	[tilespmem:$0x1E800] =	vst v63  }
0x71: {  	_ =	swait.ge [sflag:s26], $0x1400  }
0x72: {  	[sflag:s26] =	ssyncset.done $0x0  }
0x73: {  	[sflag:s26] =	ssyncadd.s32 $0xFFFFEC00  }
0x74: {  	[tilespmem:s28], [sflag:$0x3] =	stream.linear.gather [hbm4b:s19+s14], $0x1400, $0x38;
	[tilespmem:$0x1E800] =	vst v63  }
0x75: {  	_ =	swait.ge [sflag:s26], $0x1400  }
0x76: {  	[sflag:s26] =	ssyncset.done $0x0  }
0x77: {  	[sflag:s26] =	ssyncadd.s32 $0xFFFFEC00  }
0x78: {  	[tilespmem:s30], [sflag:$0x1] =	stream.indirect.gather [hbm4b:s2+s29], $0x80, s14, s29, $0xb8;
	[tilespmem:$0x1E800] =	vst v63  }
0x79: {  	_ = 	snop  }
0x7a: {  	[tilespmem:s31], [sflag:$0x2] =	stream.indirect.gather [hbm4b:s2+s29], $0x80, s29, s29, $0xb8;
	[tilespmem:$0x1E800] =	vst v63  }
0x7b: {  	_ =	swait.ge [sflag:s1], $0x4000  }
0x7c: {  	[sflag:s1] =	ssyncset.done $0x0  }
0x7d: {  	s16 =	simm.s32 $0x1400;
	[sflag:s1] =	ssyncadd.s32 $0xFFFFC000  }
0x7e: {  	[spmem:s3] =	stream.indirect.scatter.add.f32 [tilespmem:s30], [sflag:$0x3], $0x80, s16, s29, $0xb8;
	[tilespmem:$0x1E800] =	vst v63  }
0x7f: {  	_ =	swait.ge [sflag:s26], $0x4000  }
0x80: {  	[sflag:s26] =	ssyncset.done $0x0  }
0x81: {  	s15 =	simm.s32 $0x100;
	[sflag:s26] =	ssyncadd.s32 $0xFFFFC000  }
0x82: {  	[tilespmem:s30], [sflag:$0x1] =	stream.indirect.gather [hbm4b:s2+s29], $0x80, s15, s29, $0xb8;
	[tilespmem:$0x1E800] =	vst v63  }
0x83: {  	_ =	swait.ge [sflag:s0], $0x4000  }
0x84: {  	[sflag:s0] =	ssyncset.done $0x0  }
0x85: {  	s16 =	simm.s32 $0x1480;
	[sflag:s0] =	ssyncadd.s32 $0xFFFFC000  }
0x86: {  	[spmem:s3] =	stream.indirect.scatter.add.f32 [tilespmem:s31], [sflag:$0x3], $0x80, s16, s29, $0xb8;
	[tilespmem:$0x1E800] =	vst v63  }
0x87: {  	_ =	swait.ge [sflag:s26], $0x4000  }
0x88: {  	[sflag:s26] =	ssyncset.done $0x0  }
0x89: {  	s14 =	simm.s32 $0x400;
	s15 =	simm.s32 $0x180;
	[sflag:s26] =	ssyncadd.s32 $0xFFFFC000  }
.LBB2_4:
0x8a: {  	[tilespmem:s31], [sflag:$0x2] =	stream.indirect.gather [hbm4b:s2+s29], $0x80, s15, s29, $0xb8;
	[tilespmem:$0x1E800] =	vst v63  }
0x8b: {  	s15 =	smov.u32 s14  }
0x8c: {  	p0 =	sne.s32 s14, $0x4800;
	s14 =	sadd.s32 $0x400, s14;
	_ =	swait.ge [sflag:s1], $0x4000  }
0x8d: {  	s15 =	sshra.s32 s15, $0x2;
	[sflag:s1] =	ssyncset.done $0x0  }
0x8e: {  	s16 =	sadd.s32 $0x1400, s15;
	[sflag:s1] =	ssyncadd.s32 $0xFFFFC000  }
0x8f: {  	[spmem:s3] =	stream.indirect.scatter.add.f32 [tilespmem:s30], [sflag:$0x3], $0x80, s16, s29, $0xb8;
	[tilespmem:$0x1E800] =	vst v63  }
0x90: {  	_ =	swait.ge [sflag:s26], $0x4000  }
0x91: {  	[sflag:s26] =	ssyncset.done $0x0  }
0x92: {  	s16 =	sadd.s32 $0x100, s15;
	[sflag:s26] =	ssyncadd.s32 $0xFFFFC000  }
0x93: {  	[tilespmem:s30], [sflag:$0x1] =	stream.indirect.gather [hbm4b:s2+s29], $0x80, s16, s29, $0xb8;
	[tilespmem:$0x1E800] =	vst v63  }
0x94: {  	_ =	swait.ge [sflag:s0], $0x4000  }
0x95: {  	[sflag:s0] =	ssyncset.done $0x0  }
.Ltmp1:
0x96: {  	s16 =	sadd.s32 $0x1480, s15;
	[sflag:s0] =	ssyncadd.s32 $0xFFFFC000;
	(pc) =	sbr.rel @p0 .LBB2_4-.Ltmp1, $4  }
0x97: {  	[spmem:s3] =	stream.indirect.scatter.add.f32 [tilespmem:s31], [sflag:$0x3], $0x80, s16, s29, $0xb8;
	[tilespmem:$0x1E800] =	vst v63  }
0x98: {  	_ =	swait.ge [sflag:s26], $0x4000  }
0x99: {  	[sflag:s26] =	ssyncset.done $0x0  }
0x9a: {  	s15 =	sadd.s32 $0x180, s15;
	[sflag:s26] =	ssyncadd.s32 $0xFFFFC000  }
0x9b: {  	[tilespmem:s31], [sflag:$0x2] =	stream.indirect.gather [hbm4b:s2+s29], $0x80, s15, s29, $0xb8;
	[tilespmem:$0x1E800] =	vst v63  }
0x9c: {  	_ =	swait.ge [sflag:s1], $0x4000  }
0x9d: {  	[sflag:s1] =	ssyncset.done $0x0  }
0x9e: {  	[sflag:s1] =	ssyncadd.s32 $0xFFFFC000  }
0x9f: {  	[spmem:s3] =	stream.indirect.scatter.add.f32 [tilespmem:s30], [sflag:$0x3], $0x80, s5, s29, $0xb8;
	[tilespmem:$0x1E800] =	vst v63  }
0xa0: {  	_ =	swait.ge [sflag:s26], $0x4000  }
0xa1: {  	[sflag:s26] =	ssyncset.done $0x0  }
0xa2: {  	[sflag:s26] =	ssyncadd.s32 $0xFFFFC000  }
0xa3: {  	_ =	swait.ge [sflag:s0], $0x4000  }
0xa4: {  	[sflag:s0] =	ssyncset.done $0x0  }
0xa5: {  	[sflag:s0] =	ssyncadd.s32 $0xFFFFC000  }
0xa6: {  	[spmem:s3] =	stream.indirect.scatter.add.f32 [tilespmem:s31], [sflag:$0x3], $0x80, s6, s29, $0xb8;
	[tilespmem:$0x1E800] =	vst v63  }
0xa7: {  	_ =	swait.ge [sflag:s26], $0x4000  }
0xa8: {  	[sflag:s26] =	ssyncset.done $0x0  }
0xa9: {  	[sflag:s26] =	ssyncadd.s32 $0xFFFFC000  }
0xaa: {  	[bflag:$0x0] =	sbarrier.arrive $0xFFFF  }
0xab: {  	[hbm:s20], [sflag:s7] =	dma.local [spmem:s9], $0x800  }
0xac: {  	_ =	swait.ge [sflag:s26], $0x800  }
0xad: {  	[sflag:s26] =	ssyncset.done $0x0  }
0xae: {  	[sflag:s26] =	ssyncadd.s32 $0xFFFFF800  }
0xaf: {  	[hbm:s21], [sflag:s7] =	dma.local [spmem:s10], $0x800  }
0xb0: {  	_ =	swait.ge [sflag:s26], $0x800  }
0xb1: {  	[sflag:s26] =	ssyncset.done $0x0  }
0xb2: {  	[sflag:s26] =	ssyncadd.s32 $0xFFFFF800  }
0xb3: {  	[hbm:s22], [sflag:s7] =	dma.local [spmem:s11], $0x800  }
0xb4: {  	_ =	swait.ge [sflag:s26], $0x800  }
0xb5: {  	[sflag:s26] =	ssyncset.done $0x0  }
0xb6: {  	[sflag:s26] =	ssyncadd.s32 $0xFFFFF800  }
0xb7: {  	[hbm:s23], [sflag:s7] =	dma.local [spmem:s12], $0x800  }
0xb8: {  	s8 =	sadd.s32 $0x1, s8;
	_ =	swait.ge [sflag:s26], $0x800  }
0xb9: {  	p0 =	sne.s32 s8, s25;
	[sflag:s26] =	ssyncset.done $0x0  }
.Ltmp2:
0xba: {  	[sflag:s26] =	ssyncadd.s32 $0xFFFFF800;
	(pc) =	sbr.rel @p0 .LBB2_1-.Ltmp2, $4  }
0xbb: {  	[hbm:s24], [sflag:s7] =	dma.local [spmem:s13], $0x800  }
0xbc: {  	_ =	swait.ge [sflag:s26], $0x800  }
0xbd: {  	[sflag:s26] =	ssyncset.done $0x0  }
0xbe: {  	[sflag:s26] =	ssyncadd.s32 $0xFFFFF800  }
0xbf: {  	_ =	sfence.sel $0x180000  }
0xc0: {  	[bflag:$0x0] =	sbarrier.arrive $0xFFFF  }
0xc1: {  	_ =	strace $0x9000004A  }
0xc2: {  	s0 =	stileid.u32;
	[bflag:$0x2] =	sbarrier.arrive $0xFFFF  }
0xc3: {  	p0 =	sne.s32 s0, $0x0;
	s0 =	rddreg [dreg:$0x3]  }
0xc4: {  	s0 =	sadd.s32 @!p0 $0x100000, s0  }
0xc5: {  	[sflag:s0] =	ssyncadd.tile.s32 @!p0 $0x1;
	_ =	shalt  }
.Lfunc_end2:
_tile_overlayer_lowered:
.L_overlay_start_2:
0xc6: {  	(tag) =	ssettag $0x2  }
0xc7: {  	s0 =	rddreg [dreg:$0x0];
	s2 =	stileid.u32  }
0xc8: {  	s1 =	rddreg [dreg:$0x1];
	p0 =	sne.s32 s2, $0x0  }
0xc9: {  	s3 =	rddreg [dreg:$0x2];
	[bflag:$0x3] =	sbarrier.arrive $0xFFFF;
	s2 =	simm.s32 @!p0 $0x1C03  }
0xca: {  	[timem:s3], [sflag:s2] =	dma.local @!p0 [hbm:s0], s1  }
0xcb: {  	s0 =	simm.s32 @!p0 $0x3  }
0xcc: {  	_ =	swait.ge @!p0 [sflag:s0], s1  }
0xcd: {  	s1 =	ssub.s32 @!p0 $0x0, s1;
	[sflag:s0] =	ssyncset.done @!p0 $0x0  }
0xce: {  	[sflag:s0] =	ssyncadd.s32 @!p0 s1  }
0xcf: {  	[bflag:$0x3] =	sbarrier.arrive $0xFFFF  }
0xd0: {  	_ =	shalt  }

</sc_bundles>
